<compile_context>
chip_gen: v7x
topology: tpu7x:2x2x1
jax: 0.10.2.dev20260603
libtpu: 0.0.44.dev20260713+nightly
codegen_flags: <defaults>
</compile_context>

<pallas_src>
import functools

import jax
import jax.numpy as jnp
from jax import lax
from jax.experimental import pallas as pl
from jax.experimental.pallas import tpu as pltpu
from jax.experimental.pallas import tpu_sc as plsc

NUM_FIELDS = 26
FIELD_DIM = 100000
EMBED_DIM = 16
BATCH = 16384
BF = BATCH * NUM_FIELDS
BN_EPS = 1e-5

NC, NS = 2, 16
NW = NC * NS
PER_W = BF // NW
CH = 1664
NCH = PER_W // CH
SB = BATCH // NW

MLP_BLK = 1024


def _sc_body(idx_hbm, emb_hbm, lin_hbm, h_out, lin_out,
             idx_c, rows_v, idxl_v, vals_v, linb_v, sem_e, sem_l):
    w = lax.axis_index("s") * NC + lax.axis_index("c")
    base = w * PER_W

    pltpu.sync_copy(idx_hbm.at[pl.ds(base, PER_W)], idxl_v)
    lin_cp = pltpu.async_copy(lin_hbm.at[idxl_v], vals_v, sem_l)

    for c in range(NCH):
        pltpu.sync_copy(idx_hbm.at[pl.ds(base + c * CH, CH)], idx_c)
        pltpu.async_copy(emb_hbm.at[idx_c], rows_v, sem_e).wait()
        pltpu.sync_copy(rows_v, h_out.at[pl.ds(base + c * CH, CH)])

    lin_cp.wait()
    lane = lax.iota(jnp.int32, 16) * NUM_FIELDS

    def gbody(g, _):
        row0 = g * (16 * NUM_FIELDS)
        acc = plsc.load_gather(vals_v, [lane + row0])
        for f in range(1, NUM_FIELDS):
            acc = acc + plsc.load_gather(vals_v, [lane + (row0 + f)])
        linb_v[pl.ds(g * 16, 16)] = acc
        return 0

    lax.fori_loop(0, SB // 16, gbody, 0)
    pltpu.sync_copy(linb_v, lin_out.at[pl.ds(w * SB, SB)])


_sc_gather = functools.partial(
    pl.kernel,
    out_type=[
        jax.ShapeDtypeStruct((BF, EMBED_DIM), jnp.float32),
        jax.ShapeDtypeStruct((BATCH,), jnp.float32),
    ],
    mesh=plsc.VectorSubcoreMesh(core_axis_name="c", subcore_axis_name="s"),
    scratch_types=[
        pltpu.VMEM((CH,), jnp.int32),
        pltpu.VMEM((CH, EMBED_DIM), jnp.float32),
        pltpu.VMEM((PER_W,), jnp.int32),
        pltpu.VMEM((PER_W,), jnp.float32),
        pltpu.VMEM((SB,), jnp.float32),
        pltpu.SemaphoreType.DMA,
        pltpu.SemaphoreType.DMA,
    ],
    compiler_params=pltpu.CompilerParams(use_tc_tiling_on_sc=False,
                                         needs_layout_passes=False),
)(_sc_body)


TOTAL_VOCAB = NUM_FIELDS * FIELD_DIM
RW = 1024
RWP = RW + 128
NB_FULL = TOTAL_VOCAB // RW
TAIL = TOTAL_VOCAB - NB_FULL * RW
NSTEP = 80
OUT_WORDS = TOTAL_VOCAB * EMBED_DIM


def _rp_extract(inb, rowb, nrows):
    lane = lax.iota(jnp.int32, 16)
    U = 8

    def ebody(i, _):
        q0 = i * U
        for u in range(U):
            vals = plsc.load_gather(inb, [lane, jnp.full((16,), q0 + u,
                                                         jnp.int32)])
            rowb[pl.ds((q0 + u) * EMBED_DIM, 16)] = vals
        return 0

    lax.fori_loop(0, nrows // U, ebody, 0)


def _rp_body(embT_hbm, out_hbm, in0, in1, row0, row1, tail_v,
             si0, si1, so0, so1, st):
    w = lax.axis_index("s") * NC + lax.axis_index("c")
    start = (w * NB_FULL) // NW
    nb_max = NB_FULL - 1

    def jb_of(k):
        return jnp.minimum(start + k, nb_max)

    pltpu.async_copy(embT_hbm.at[:, pl.ds(jb_of(0) * RW, RW)],
                     in0.at[:, pl.ds(0, RW)], si0)

    def step(t, _):
        for par, inb, si, si_nxt, inb_nxt, rowb, so in (
                (0, in0, si0, si1, in1, row0, so0),
                (1, in1, si1, si0, in0, row1, so1)):
            k = 2 * t + par
            pltpu.make_async_copy(embT_hbm.at[:, pl.ds(0, RW)],
                                  inb.at[:, pl.ds(0, RW)], si).wait()
            if par == 0:
                pltpu.async_copy(
                    embT_hbm.at[:, pl.ds(jb_of(k + 1) * RW, RW)],
                    inb_nxt.at[:, pl.ds(0, RW)], si_nxt)
            else:
                @pl.when(t < NSTEP // 2 - 1)
                def _():
                    pltpu.async_copy(
                        embT_hbm.at[:, pl.ds(jb_of(k + 1) * RW, RW)],
                        inb_nxt.at[:, pl.ds(0, RW)], si_nxt)

            @pl.when(t >= 1)
            def _():
                pltpu.make_async_copy(
                    row0, out_hbm.at[pl.ds(0, RW * EMBED_DIM)], so).wait()

            _rp_extract(inb, rowb, RW)
            pltpu.async_copy(
                rowb, out_hbm.at[pl.ds(jb_of(k) * (RW * EMBED_DIM),
                                       RW * EMBED_DIM)], so)
        return 0

    lax.fori_loop(0, NSTEP // 2, step, 0)
    pltpu.make_async_copy(row0, out_hbm.at[pl.ds(0, RW * EMBED_DIM)],
                          so0).wait()
    pltpu.make_async_copy(row1, out_hbm.at[pl.ds(0, RW * EMBED_DIM)],
                          so1).wait()

    @pl.when(w == NW - 1)
    def _():
        pltpu.sync_copy(embT_hbm.at[:, pl.ds(NB_FULL * RW, TAIL)], tail_v)
        lane = lax.iota(jnp.int32, 16)

        def tbody(q, _):
            vals = plsc.load_gather(tail_v, [lane, jnp.full((16,), q,
                                                            jnp.int32)])
            row0[pl.ds(q * EMBED_DIM, 16)] = vals
            return 0

        lax.fori_loop(0, TAIL, tbody, 0)
        pltpu.async_copy(
            row0.at[pl.ds(0, TAIL * EMBED_DIM)],
            out_hbm.at[pl.ds(NB_FULL * RW * EMBED_DIM, TAIL * EMBED_DIM)],
            st).wait()


_repack = functools.partial(
    pl.kernel,
    out_type=jax.ShapeDtypeStruct((OUT_WORDS,), jnp.float32),
    mesh=plsc.VectorSubcoreMesh(core_axis_name="c", subcore_axis_name="s"),
    scratch_types=[
        pltpu.VMEM((EMBED_DIM, RWP), jnp.float32),
        pltpu.VMEM((EMBED_DIM, RWP), jnp.float32),
        pltpu.VMEM((RW * EMBED_DIM,), jnp.float32),
        pltpu.VMEM((RW * EMBED_DIM,), jnp.float32),
        pltpu.VMEM((EMBED_DIM, TAIL), jnp.float32),
        pltpu.SemaphoreType.DMA,
        pltpu.SemaphoreType.DMA,
        pltpu.SemaphoreType.DMA,
        pltpu.SemaphoreType.DMA,
        pltpu.SemaphoreType.DMA,
    ],
    compiler_params=pltpu.CompilerParams(use_tc_tiling_on_sc=True,
                                         needs_layout_passes=False),
)(_rp_body)


def _mlp_body(h_ref, lin_ref, W1_ref, b1_ref, g1_ref, be1_ref,
              W2_ref, b2_ref, g2_ref, be2_ref, W3_ref, b3_ref, lb_ref,
              out_ref):
    inv = 1.0 / (1.0 + BN_EPS) ** 0.5
    s1 = g1_ref[...] * inv
    t1 = b1_ref[...] * s1 + be1_ref[...]
    a = jnp.dot(h_ref[...], W1_ref[...], preferred_element_type=jnp.float32)
    a = jnp.maximum(a * s1 + t1, 0.0)
    s2 = g2_ref[...] * inv
    t2 = b2_ref[...] * s2 + be2_ref[...]
    a = jnp.dot(a, W2_ref[...], preferred_element_type=jnp.float32)
    a = jnp.maximum(a * s2 + t2, 0.0)
    deep = jnp.sum(a * W3_ref[...], axis=1, keepdims=True)
    out_ref[...] = deep + b3_ref[...] + lb_ref[...] + lin_ref[...]


def _mlp(h2d, lin2d, W1, b1, g1, be1, W2, b2, g2, be2, W3r, b3, lbias):
    full = lambda shape: pl.BlockSpec(shape, lambda i: (0, 0))
    return pl.pallas_call(
        _mlp_body,
        grid=(BATCH // MLP_BLK,),
        in_specs=[
            pl.BlockSpec((MLP_BLK, NUM_FIELDS * EMBED_DIM), lambda i: (i, 0)),
            pl.BlockSpec((MLP_BLK, 1), lambda i: (i, 0)),
            full((NUM_FIELDS * EMBED_DIM, 256)),
            full((1, 256)), full((1, 256)), full((1, 256)),
            full((256, 128)),
            full((1, 128)), full((1, 128)), full((1, 128)),
            full((1, 128)),
            full((1, 1)), full((1, 1)),
        ],
        out_specs=pl.BlockSpec((MLP_BLK, 1), lambda i: (i, 0)),
        out_shape=jax.ShapeDtypeStruct((BATCH, 1), jnp.float32),
    )(h2d, lin2d, W1, b1, g1, be1, W2, b2, g2, be2, W3r, b3, lbias)


def kernel(x, emb_W, lin_W, lin_bias, W1, b1, g1, be1, W2, b2, g2, be2,
           W3, b3):
    offs = jnp.arange(NUM_FIELDS, dtype=jnp.int32) * FIELD_DIM
    idx = x.astype(jnp.int32) + offs[None, :]
    idx_emb = idx.reshape(-1)
    emb_lin = _repack(emb_W.T).reshape(TOTAL_VOCAB, EMBED_DIM)
    h, lin_sum = _sc_gather(idx_emb, emb_lin, lin_W.reshape(-1))
    out = _mlp(
        h.reshape(BATCH, NUM_FIELDS * EMBED_DIM),
        lin_sum.reshape(BATCH, 1),
        W1, b1.reshape(1, -1), g1.reshape(1, -1), be1.reshape(1, -1),
        W2, b2.reshape(1, -1), g2.reshape(1, -1), be2.reshape(1, -1),
        W3.reshape(1, -1), b3.reshape(1, 1), lin_bias.reshape(1, 1),
    )
    return jnp.squeeze(out, axis=1)

# --- scband reference (transcript-rebuilt; emitter-appended) ---
"""Pipeline reference for scband-wide-and-deep-model-6047313953056 (READ-ONLY COPY).

The authoritative reference and input builder live on the scoring server;
editing this copy changes nothing except your own understanding.
"""

import jax, jax.numpy as jnp
import numpy as np

NUM_FIELDS = 26
FIELD_DIM = 100000
TOTAL_VOCAB = NUM_FIELDS * FIELD_DIM
EMBED_DIM = 16
MLP_DIMS = (256, 128)
EMBED_OUT = NUM_FIELDS * EMBED_DIM
BN_EPS = 1e-5


def setup_inputs(seed: int = 0) -> dict:
    key = jax.random.key(seed)
    ks = jax.random.split(key, 12)
    x = jax.random.randint(ks[0], (16384, NUM_FIELDS), 0, FIELD_DIM, dtype=jnp.int64 if jax.config.jax_enable_x64 else jnp.int32).astype(jnp.int32)
    # xavier-uniform-ish embedding table
    bound_e = float(np.sqrt(6.0 / (TOTAL_VOCAB + EMBED_DIM)))
    emb_W = jax.random.uniform(ks[1], (TOTAL_VOCAB, EMBED_DIM), minval=-bound_e, maxval=bound_e, dtype=jnp.float32)
    lin_W = jax.random.normal(ks[2], (TOTAL_VOCAB, 1), dtype=jnp.float32) * 0.01
    lin_bias = jnp.zeros((1,), dtype=jnp.float32)
    def lin_init(k, fan_in, fan_out):
        b = float(np.sqrt(1.0 / fan_in))
        kw, kb = jax.random.split(k)
        W = jax.random.uniform(kw, (fan_in, fan_out), minval=-b, maxval=b, dtype=jnp.float32)
        bb = jax.random.uniform(kb, (fan_out,), minval=-b, maxval=b, dtype=jnp.float32)
        return W, bb
    W1, b1 = lin_init(ks[3], EMBED_OUT, MLP_DIMS[0])
    W2, b2 = lin_init(ks[4], MLP_DIMS[0], MLP_DIMS[1])
    W3, b3 = lin_init(ks[5], MLP_DIMS[1], 1)
    g1 = jnp.ones((MLP_DIMS[0],), dtype=jnp.float32)
    be1 = jnp.zeros((MLP_DIMS[0],), dtype=jnp.float32)
    g2 = jnp.ones((MLP_DIMS[1],), dtype=jnp.float32)
    be2 = jnp.zeros((MLP_DIMS[1],), dtype=jnp.float32)
    return {"x": x, "emb_W": emb_W, "lin_W": lin_W, "lin_bias": lin_bias,
            "W1": W1, "b1": b1, "g1": g1, "be1": be1,
            "W2": W2, "b2": b2, "g2": g2, "be2": be2,
            "W3": W3, "b3": b3}


def _bn_eval(h, gamma, beta):
    # eval-mode BatchNorm1d with running_mean=0, running_var=1
    return (h / jnp.sqrt(1.0 + BN_EPS)) * gamma + beta


def reference(x, emb_W, lin_W, lin_bias, W1, b1, g1, be1, W2, b2, g2, be2, W3, b3):
    offsets = jnp.arange(NUM_FIELDS, dtype=x.dtype) * FIELD_DIM
    idx = x + offsets[None, :]
    # FeaturesEmbedding: gather -> [B, F, D]
    embed_x = jnp.take(emb_W, idx, axis=0)
    # FeaturesLinear: gather [B, F, 1] -> sum over fields + bias -> [B, 1]
    lin = jnp.sum(jnp.take(lin_W, idx, axis=0), axis=1) + lin_bias
    # MLP over flattened embeddings
    h = embed_x.reshape(-1, EMBED_OUT)
    h = jnp.maximum(_bn_eval(h @ W1 + b1, g1, be1), 0.0)
    h = jnp.maximum(_bn_eval(h @ W2 + b2, g2, be2), 0.0)
    deep = h @ W3 + b3
    out = lin + deep
    return jnp.squeeze(out, axis=1)

if __name__ == "__main__":
    import jax
    _d = setup_inputs()
    print(jax.jit(kernel)(*tuple(_d.values())))

</pallas_src>

<mosaic_0001>
#map = affine_map<(d0, d1) -> (0, 0)>
#map1 = affine_map<(d0, d1) -> (0)>
module attributes {stable_mosaic.version = 14 : i64} {
  func.func @_rp_body(%arg0: i32, %arg1: i32, %arg2: memref<16x2600000xf32, #tpu.memory_space<hbm>>, %arg3: memref<41600000xf32, #tpu.memory_space<hbm>>, %arg4: memref<16x1152xf32, #tpu.memory_space<vmem>>, %arg5: memref<16x1152xf32, #tpu.memory_space<vmem>>, %arg6: memref<16384xf32, #tpu.memory_space<vmem>>, %arg7: memref<16384xf32, #tpu.memory_space<vmem>>, %arg8: memref<16x64xf32, #tpu.memory_space<vmem>>, %arg9: memref<!tpu.dma_semaphore, #tpu.memory_space<semaphore_mem>>, %arg10: memref<!tpu.dma_semaphore, #tpu.memory_space<semaphore_mem>>, %arg11: memref<!tpu.dma_semaphore, #tpu.memory_space<semaphore_mem>>, %arg12: memref<!tpu.dma_semaphore, #tpu.memory_space<semaphore_mem>>, %arg13: memref<!tpu.dma_semaphore, #tpu.memory_space<semaphore_mem>>) attributes {dimension_semantics = [#tpu.dimension_semantics<core_parallel>, #tpu.dimension_semantics<subcore_parallel>], iteration_bounds = array<i64: 2, 16>, scalar_prefetch = 0 : i64, scratch_operands = 10 : i64, tpu.core_type = #tpu.core_type<sc_vector_subcore>, window_params = [{transform_indices = #map}, {transform_indices = #map1}]} {
    %mul3A = arith.constant 2 : i32
    %mul3A_0 = arith.muli %arg1, %mul3A : i32
    %add3A = arith.addi %mul3A_0, %arg0 : i32
    %mul3A_1 = arith.constant 2539 : i32
    %mul3A_2 = arith.muli %add3A, %mul3A_1 : i32
    %jit3A = arith.constant 32 : i32
    %div3A = arith.divsi %mul3A_2, %jit3A : i32
    %sign3A = arith.constant 0 : i32
    %sign3A_3 = arith.cmpi sgt, %mul3A_2, %sign3A : i32
    %sign3A_4 = arith.extui %sign3A_3 : i1 to i32
    %sign3A_5 = arith.constant 0 : i32
    %sign3A_6 = arith.cmpi slt, %mul3A_2, %sign3A_5 : i32
    %sign3A_7 = arith.extui %sign3A_6 : i1 to i32
    %sign3A_8 = arith.subi %sign3A_4, %sign3A_7 : i32
    %sign3A_9 = arith.constant 0 : i32
    %sign3A_10 = arith.cmpi sgt, %jit3A, %sign3A_9 : i32
    %sign3A_11 = arith.extui %sign3A_10 : i1 to i32
    %sign3A_12 = arith.constant 0 : i32
    %sign3A_13 = arith.cmpi slt, %jit3A, %sign3A_12 : i32
    %sign3A_14 = arith.extui %sign3A_13 : i1 to i32
    %sign3A_15 = arith.subi %sign3A_11, %sign3A_14 : i32
    %ne3A = arith.cmpi ne, %sign3A_8, %sign3A_15 : i32
    %rem3A = arith.remsi %mul3A_2, %jit3A : i32
    %ne3A_16 = arith.constant 0 : i32
    %ne3A_17 = arith.cmpi ne, %rem3A, %ne3A_16 : i32
    %and3A = arith.andi %ne3A, %ne3A_17 : i1
    %sub3A = arith.constant 1 : i32
    %sub3A_18 = arith.subi %div3A, %sub3A : i32
    %select_n3A = arith.select %and3A, %sub3A_18, %div3A : i32
    %add3A_19 = arith.constant 0 : i32
    %add3A_20 = arith.addi %select_n3A, %add3A_19 : i32
    %min3A = arith.constant 2538 : i32
    %min3A_21 = arith.minsi %add3A_20, %min3A : i32
    %mul3A_22 = arith.constant 1024 : i32
    %mul3A_23 = arith.muli %min3A_21, %mul3A_22 : i32
    %dma_start3A = arith.constant 0 : i32
    %dma_start3A_24 = arith.constant 0 : i32
    %dma_start3A_25 = tpu.memref_slice %arg4[%dma_start3A, %dma_start3A_24] : memref<16x1152xf32, #tpu.memory_space<vmem>> -> memref<16x1024xf32, #tpu.memory_space<vmem>>
    %dma_start3A_26 = arith.constant 0 : i32
    %dma_start3A_27 = tpu.memref_slice %arg2[%dma_start3A_26, %mul3A_23] : memref<16x2600000xf32, #tpu.memory_space<hbm>> -> memref<16x1024xf32, #tpu.memory_space<hbm>>
    %dma_start3A_28 = arith.constant 0 : i32
    %dma_start3A_29 = arith.constant 0 : i32
    %dma_start3A_30 = tpu.memref_slice %arg4[%dma_start3A_28, %dma_start3A_29] : memref<16x1152xf32, #tpu.memory_space<vmem>> -> memref<16x1024xf32, #tpu.memory_space<vmem>>
    %dma_start3A_31 = arith.constant 0 : i32
    %dma_start3A_32 = tpu.memref_slice %arg2[%dma_start3A_31, %mul3A_23] : memref<16x2600000xf32, #tpu.memory_space<hbm>> -> memref<16x1024xf32, #tpu.memory_space<hbm>>
    tpu.enqueue_dma source(%dma_start3A_32 : memref<16x1024xf32, #tpu.memory_space<hbm>>) target(%dma_start3A_30 : memref<16x1024xf32, #tpu.memory_space<vmem>>) target_semaphore(%arg9 : memref<!tpu.dma_semaphore, #tpu.memory_space<semaphore_mem>>)
    %scan3A = arith.constant 0 : i32
    %scan3A_33 = arith.constant 0 : i32
    %scan3A_34 = arith.constant 40 : i32
    %scan3A_35 = arith.addi %scan3A_33, %scan3A_34 : i32
    %scan3A_36 = arith.constant 1 : i32
    %scan3A_37 = scf.for %scan3A_48 = %scan3A_33 to %scan3A_35 step %scan3A_36 iter_args(%scan3A_49 = %scan3A) -> (i32)  : i32 {
      %mul3A_50 = arith.constant 2 : i32
      %mul3A_51 = arith.muli %mul3A_50, %scan3A_48 : i32
      %add3A_52 = arith.constant 0 : i32
      %add3A_53 = arith.addi %mul3A_51, %add3A_52 : i32
      %dma_wait3A_54 = arith.constant 0 : i32
      %dma_wait3A_55 = arith.constant 0 : i32
      %dma_wait3A_56 = tpu.memref_slice %arg4[%dma_wait3A_54, %dma_wait3A_55] : memref<16x1152xf32, #tpu.memory_space<vmem>> -> memref<16x1024xf32, #tpu.memory_space<vmem>>
      %dma_wait3A_57 = arith.constant 0 : i32
      %dma_wait3A_58 = arith.constant 0 : i32
      %dma_wait3A_59 = tpu.memref_slice %arg2[%dma_wait3A_57, %dma_wait3A_58] : memref<16x2600000xf32, #tpu.memory_space<hbm>> -> memref<16x1024xf32, #tpu.memory_space<hbm>>
      %dma_wait3A_60 = arith.constant 0 : i32
      %dma_wait3A_61 = arith.constant 0 : i32
      %dma_wait3A_62 = tpu.memref_slice %arg4[%dma_wait3A_60, %dma_wait3A_61] : memref<16x1152xf32, #tpu.memory_space<vmem>> -> memref<16x1024xf32, #tpu.memory_space<vmem>>
      %dma_wait3A_63 = arith.constant 0 : i32
      %dma_wait3A_64 = arith.constant 0 : i32
      %dma_wait3A_65 = tpu.memref_slice %arg2[%dma_wait3A_63, %dma_wait3A_64] : memref<16x2600000xf32, #tpu.memory_space<hbm>> -> memref<16x1024xf32, #tpu.memory_space<hbm>>
      tpu.wait_dma2 semaphore(%arg9 : memref<!tpu.dma_semaphore, #tpu.memory_space<semaphore_mem>>) src(%dma_wait3A_65 : memref<16x1024xf32, #tpu.memory_space<hbm>>) dst(%dma_wait3A_62 : memref<16x1024xf32, #tpu.memory_space<vmem>>)
      %add3A_66 = arith.constant 1 : i32
      %add3A_67 = arith.addi %add3A_53, %add3A_66 : i32
      %add3A_68 = arith.addi %select_n3A, %add3A_67 : i32
      %min3A_69 = arith.constant 2538 : i32
      %min3A_70 = arith.minsi %add3A_68, %min3A_69 : i32
      %mul3A_71 = arith.constant 1024 : i32
      %mul3A_72 = arith.muli %min3A_70, %mul3A_71 : i32
      %dma_start3A_73 = arith.constant 0 : i32
      %dma_start3A_74 = arith.constant 0 : i32
      %dma_start3A_75 = tpu.memref_slice %arg5[%dma_start3A_73, %dma_start3A_74] : memref<16x1152xf32, #tpu.memory_space<vmem>> -> memref<16x1024xf32, #tpu.memory_space<vmem>>
      %dma_start3A_76 = arith.constant 0 : i32
      %dma_start3A_77 = tpu.memref_slice %arg2[%dma_start3A_76, %mul3A_72] : memref<16x2600000xf32, #tpu.memory_space<hbm>> -> memref<16x1024xf32, #tpu.memory_space<hbm>>
      %dma_start3A_78 = arith.constant 0 : i32
      %dma_start3A_79 = arith.constant 0 : i32
      %dma_start3A_80 = tpu.memref_slice %arg5[%dma_start3A_78, %dma_start3A_79] : memref<16x1152xf32, #tpu.memory_space<vmem>> -> memref<16x1024xf32, #tpu.memory_space<vmem>>
      %dma_start3A_81 = arith.constant 0 : i32
      %dma_start3A_82 = tpu.memref_slice %arg2[%dma_start3A_81, %mul3A_72] : memref<16x2600000xf32, #tpu.memory_space<hbm>> -> memref<16x1024xf32, #tpu.memory_space<hbm>>
      tpu.enqueue_dma source(%dma_start3A_82 : memref<16x1024xf32, #tpu.memory_space<hbm>>) target(%dma_start3A_80 : memref<16x1024xf32, #tpu.memory_space<vmem>>) target_semaphore(%arg10 : memref<!tpu.dma_semaphore, #tpu.memory_space<semaphore_mem>>)
      %ge3A = arith.constant 1 : i32
      %ge3A_83 = arith.cmpi sge, %scan3A_48, %ge3A : i32
      %convert_element_type3A_84 = arith.extui %ge3A_83 : i1 to i32
      %cond3A_85 = arith.constant 0 : i32
      %cond3A_86 = arith.cmpi ne, %convert_element_type3A_84, %cond3A_85 : i32
      scf.if %cond3A_86 {
        %dma_wait3A_142 = arith.constant 0 : i32
        %dma_wait3A_143 = tpu.memref_slice %arg3[%dma_wait3A_142] : memref<41600000xf32, #tpu.memory_space<hbm>> -> memref<16384xf32, #tpu.memory_space<hbm>>
        %dma_wait3A_144 = arith.constant 0 : i32
        %dma_wait3A_145 = tpu.memref_slice %arg3[%dma_wait3A_144] : memref<41600000xf32, #tpu.memory_space<hbm>> -> memref<16384xf32, #tpu.memory_space<hbm>>
        tpu.wait_dma2 semaphore(%arg11 : memref<!tpu.dma_semaphore, #tpu.memory_space<semaphore_mem>>) src(%arg6 : memref<16384xf32, #tpu.memory_space<vmem>>) dst(%dma_wait3A_145 : memref<16384xf32, #tpu.memory_space<hbm>>)
      } else {
      }
      %iota3A = tpu.iota {dimensions = array<i32: 0>} : vector<16xi32>
      %scan3A_87 = arith.constant 0 : i32
      %scan3A_88 = arith.constant 0 : i32
      %scan3A_89 = arith.constant 128 : i32
      %scan3A_90 = arith.addi %scan3A_88, %scan3A_89 : i32
      %scan3A_91 = arith.constant 1 : i32
      %scan3A_92 = scf.for %scan3A_142 = %scan3A_88 to %scan3A_90 step %scan3A_91 iter_args(%scan3A_143 = %scan3A_87) -> (i32)  : i32 {
        %mul3A_144 = arith.constant 8 : i32
        %mul3A_145 = arith.muli %scan3A_142, %mul3A_144 : i32
        %add3A_146 = arith.constant 0 : i32
        %add3A_147 = arith.addi %mul3A_145, %add3A_146 : i32
        %broadcast_in_dim3A = vector.broadcast %add3A_147 : i32 to vector<16xi32>
        %gather3A = tpu.vector_load_idx %arg4[%iota3A, %broadcast_in_dim3A] : memref<16x1152xf32, #tpu.memory_space<vmem>>[vector<16xi32>, vector<16xi32>], vector<16xf32>,
        %add3A_148 = arith.constant 0 : i32
        %add3A_149 = arith.addi %mul3A_145, %add3A_148 : i32
        %mul3A_150 = arith.constant 16 : i32
        %mul3A_151 = arith.muli %add3A_149, %mul3A_150 : i32
        %swap3A = arith.index_cast %mul3A_151 : i32 to index
        %swap3A_152 = tpu.vector_load %arg6[%swap3A] {strides = array<i32>} : memref<16384xf32, #tpu.memory_space<vmem>>, vector<16xf32>,
        tpu.vector_store %arg6[%swap3A], %gather3A {strides = array<i32>} : memref<16384xf32, #tpu.memory_space<vmem>>, vector<16xf32>,
        %add3A_153 = arith.constant 1 : i32
        %add3A_154 = arith.addi %mul3A_145, %add3A_153 : i32
        %broadcast_in_dim3A_155 = vector.broadcast %add3A_154 : i32 to vector<16xi32>
        %gather3A_156 = tpu.vector_load_idx %arg4[%iota3A, %broadcast_in_dim3A_155] : memref<16x1152xf32, #tpu.memory_space<vmem>>[vector<16xi32>, vector<16xi32>], vector<16xf32>,
        %add3A_157 = arith.constant 1 : i32
        %add3A_158 = arith.addi %mul3A_145, %add3A_157 : i32
        %mul3A_159 = arith.constant 16 : i32
        %mul3A_160 = arith.muli %add3A_158, %mul3A_159 : i32
        %swap3A_161 = arith.index_cast %mul3A_160 : i32 to index
        %swap3A_162 = tpu.vector_load %arg6[%swap3A_161] {strides = array<i32>} : memref<16384xf32, #tpu.memory_space<vmem>>, vector<16xf32>,
        tpu.vector_store %arg6[%swap3A_161], %gather3A_156 {strides = array<i32>} : memref<16384xf32, #tpu.memory_space<vmem>>, vector<16xf32>,
        %add3A_163 = arith.constant 2 : i32
        %add3A_164 = arith.addi %mul3A_145, %add3A_163 : i32
        %broadcast_in_dim3A_165 = vector.broadcast %add3A_164 : i32 to vector<16xi32>
        %gather3A_166 = tpu.vector_load_idx %arg4[%iota3A, %broadcast_in_dim3A_165] : memref<16x1152xf32, #tpu.memory_space<vmem>>[vector<16xi32>, vector<16xi32>], vector<16xf32>,
        %add3A_167 = arith.constant 2 : i32
        %add3A_168 = arith.addi %mul3A_145, %add3A_167 : i32
        %mul3A_169 = arith.constant 16 : i32
        %mul3A_170 = arith.muli %add3A_168, %mul3A_169 : i32
        %swap3A_171 = arith.index_cast %mul3A_170 : i32 to index
        %swap3A_172 = tpu.vector_load %arg6[%swap3A_171] {strides = array<i32>} : memref<16384xf32, #tpu.memory_space<vmem>>, vector<16xf32>,
        tpu.vector_store %arg6[%swap3A_171], %gather3A_166 {strides = array<i32>} : memref<16384xf32, #tpu.memory_space<vmem>>, vector<16xf32>,
        %add3A_173 = arith.constant 3 : i32
        %add3A_174 = arith.addi %mul3A_145, %add3A_173 : i32
        %broadcast_in_dim3A_175 = vector.broadcast %add3A_174 : i32 to vector<16xi32>
        %gather3A_176 = tpu.vector_load_idx %arg4[%iota3A, %broadcast_in_dim3A_175] : memref<16x1152xf32, #tpu.memory_space<vmem>>[vector<16xi32>, vector<16xi32>], vector<16xf32>,
        %add3A_177 = arith.constant 3 : i32
        %add3A_178 = arith.addi %mul3A_145, %add3A_177 : i32
        %mul3A_179 = arith.constant 16 : i32
        %mul3A_180 = arith.muli %add3A_178, %mul3A_179 : i32
        %swap3A_181 = arith.index_cast %mul3A_180 : i32 to index
        %swap3A_182 = tpu.vector_load %arg6[%swap3A_181] {strides = array<i32>} : memref<16384xf32, #tpu.memory_space<vmem>>, vector<16xf32>,
        tpu.vector_store %arg6[%swap3A_181], %gather3A_176 {strides = array<i32>} : memref<16384xf32, #tpu.memory_space<vmem>>, vector<16xf32>,
        %add3A_183 = arith.constant 4 : i32
        %add3A_184 = arith.addi %mul3A_145, %add3A_183 : i32
        %broadcast_in_dim3A_185 = vector.broadcast %add3A_184 : i32 to vector<16xi32>
        %gather3A_186 = tpu.vector_load_idx %arg4[%iota3A, %broadcast_in_dim3A_185] : memref<16x1152xf32, #tpu.memory_space<vmem>>[vector<16xi32>, vector<16xi32>], vector<16xf32>,
        %add3A_187 = arith.constant 4 : i32
        %add3A_188 = arith.addi %mul3A_145, %add3A_187 : i32
        %mul3A_189 = arith.constant 16 : i32
        %mul3A_190 = arith.muli %add3A_188, %mul3A_189 : i32
        %swap3A_191 = arith.index_cast %mul3A_190 : i32 to index
        %swap3A_192 = tpu.vector_load %arg6[%swap3A_191] {strides = array<i32>} : memref<16384xf32, #tpu.memory_space<vmem>>, vector<16xf32>,
        tpu.vector_store %arg6[%swap3A_191], %gather3A_186 {strides = array<i32>} : memref<16384xf32, #tpu.memory_space<vmem>>, vector<16xf32>,
        %add3A_193 = arith.constant 5 : i32
        %add3A_194 = arith.addi %mul3A_145, %add3A_193 : i32
        %broadcast_in_dim3A_195 = vector.broadcast %add3A_194 : i32 to vector<16xi32>
        %gather3A_196 = tpu.vector_load_idx %arg4[%iota3A, %broadcast_in_dim3A_195] : memref<16x1152xf32, #tpu.memory_space<vmem>>[vector<16xi32>, vector<16xi32>], vector<16xf32>,
        %add3A_197 = arith.constant 5 : i32
        %add3A_198 = arith.addi %mul3A_145, %add3A_197 : i32
        %mul3A_199 = arith.constant 16 : i32
        %mul3A_200 = arith.muli %add3A_198, %mul3A_199 : i32
        %swap3A_201 = arith.index_cast %mul3A_200 : i32 to index
        %swap3A_202 = tpu.vector_load %arg6[%swap3A_201] {strides = array<i32>} : memref<16384xf32, #tpu.memory_space<vmem>>, vector<16xf32>,
        tpu.vector_store %arg6[%swap3A_201], %gather3A_196 {strides = array<i32>} : memref<16384xf32, #tpu.memory_space<vmem>>, vector<16xf32>,
        %add3A_203 = arith.constant 6 : i32
        %add3A_204 = arith.addi %mul3A_145, %add3A_203 : i32
        %broadcast_in_dim3A_205 = vector.broadcast %add3A_204 : i32 to vector<16xi32>
        %gather3A_206 = tpu.vector_load_idx %arg4[%iota3A, %broadcast_in_dim3A_205] : memref<16x1152xf32, #tpu.memory_space<vmem>>[vector<16xi32>, vector<16xi32>], vector<16xf32>,
        %add3A_207 = arith.constant 6 : i32
        %add3A_208 = arith.addi %mul3A_145, %add3A_207 : i32
        %mul3A_209 = arith.constant 16 : i32
        %mul3A_210 = arith.muli %add3A_208, %mul3A_209 : i32
        %swap3A_211 = arith.index_cast %mul3A_210 : i32 to index
        %swap3A_212 = tpu.vector_load %arg6[%swap3A_211] {strides = array<i32>} : memref<16384xf32, #tpu.memory_space<vmem>>, vector<16xf32>,
        tpu.vector_store %arg6[%swap3A_211], %gather3A_206 {strides = array<i32>} : memref<16384xf32, #tpu.memory_space<vmem>>, vector<16xf32>,
        %add3A_213 = arith.constant 7 : i32
        %add3A_214 = arith.addi %mul3A_145, %add3A_213 : i32
        %broadcast_in_dim3A_215 = vector.broadcast %add3A_214 : i32 to vector<16xi32>
        %gather3A_216 = tpu.vector_load_idx %arg4[%iota3A, %broadcast_in_dim3A_215] : memref<16x1152xf32, #tpu.memory_space<vmem>>[vector<16xi32>, vector<16xi32>], vector<16xf32>,
        %add3A_217 = arith.constant 7 : i32
        %add3A_218 = arith.addi %mul3A_145, %add3A_217 : i32
        %mul3A_219 = arith.constant 16 : i32
        %mul3A_220 = arith.muli %add3A_218, %mul3A_219 : i32
        %swap3A_221 = arith.index_cast %mul3A_220 : i32 to index
        %swap3A_222 = tpu.vector_load %arg6[%swap3A_221] {strides = array<i32>} : memref<16384xf32, #tpu.memory_space<vmem>>, vector<16xf32>,
        tpu.vector_store %arg6[%swap3A_221], %gather3A_216 {strides = array<i32>} : memref<16384xf32, #tpu.memory_space<vmem>>, vector<16xf32>,
        %scan3A_223 = arith.constant 0 : i32
        scf.yield %scan3A_223 : i32
      }
      %scan3A_93 = arith.constant 128 : i32
      %add3A_94 = arith.addi %select_n3A, %add3A_53 : i32
      %min3A_95 = arith.constant 2538 : i32
      %min3A_96 = arith.minsi %add3A_94, %min3A_95 : i32
      %mul3A_97 = arith.constant 16384 : i32
      %mul3A_98 = arith.muli %min3A_96, %mul3A_97 : i32
      %dma_start3A_99 = tpu.memref_slice %arg3[%mul3A_98] : memref<41600000xf32, #tpu.memory_space<hbm>> -> memref<16384xf32, #tpu.memory_space<hbm>>
      %dma_start3A_100 = tpu.memref_slice %arg3[%mul3A_98] : memref<41600000xf32, #tpu.memory_space<hbm>> -> memref<16384xf32, #tpu.memory_space<hbm>>
      tpu.enqueue_dma source(%arg6 : memref<16384xf32, #tpu.memory_space<vmem>>) target(%dma_start3A_100 : memref<16384xf32, #tpu.memory_space<hbm>>) target_semaphore(%arg11 : memref<!tpu.dma_semaphore, #tpu.memory_space<semaphore_mem>>)
      %mul3A_101 = arith.constant 2 : i32
      %mul3A_102 = arith.muli %mul3A_101, %scan3A_48 : i32
      %add3A_103 = arith.constant 1 : i32
      %add3A_104 = arith.addi %mul3A_102, %add3A_103 : i32
      %dma_wait3A_105 = arith.constant 0 : i32
      %dma_wait3A_106 = arith.constant 0 : i32
      %dma_wait3A_107 = tpu.memref_slice %arg5[%dma_wait3A_105, %dma_wait3A_106] : memref<16x1152xf32, #tpu.memory_space<vmem>> -> memref<16x1024xf32, #tpu.memory_space<vmem>>
      %dma_wait3A_108 = arith.constant 0 : i32
      %dma_wait3A_109 = arith.constant 0 : i32
      %dma_wait3A_110 = tpu.memref_slice %arg2[%dma_wait3A_108, %dma_wait3A_109] : memref<16x2600000xf32, #tpu.memory_space<hbm>> -> memref<16x1024xf32, #tpu.memory_space<hbm>>
      %dma_wait3A_111 = arith.constant 0 : i32
      %dma_wait3A_112 = arith.constant 0 : i32
      %dma_wait3A_113 = tpu.memref_slice %arg5[%dma_wait3A_111, %dma_wait3A_112] : memref<16x1152xf32, #tpu.memory_space<vmem>> -> memref<16x1024xf32, #tpu.memory_space<vmem>>
      %dma_wait3A_114 = arith.constant 0 : i32
      %dma_wait3A_115 = arith.constant 0 : i32
      %dma_wait3A_116 = tpu.memref_slice %arg2[%dma_wait3A_114, %dma_wait3A_115] : memref<16x2600000xf32, #tpu.memory_space<hbm>> -> memref<16x1024xf32, #tpu.memory_space<hbm>>
      tpu.wait_dma2 semaphore(%arg10 : memref<!tpu.dma_semaphore, #tpu.memory_space<semaphore_mem>>) src(%dma_wait3A_116 : memref<16x1024xf32, #tpu.memory_space<hbm>>) dst(%dma_wait3A_113 : memref<16x1024xf32, #tpu.memory_space<vmem>>)
      %lt3A = arith.constant 39 : i32
      %lt3A_117 = arith.cmpi slt, %scan3A_48, %lt3A : i32
      %convert_element_type3A_118 = arith.extui %lt3A_117 : i1 to i32
      %cond3A_119 = arith.constant 0 : i32
      %cond3A_120 = arith.cmpi ne, %convert_element_type3A_118, %cond3A_119 : i32
      scf.if %cond3A_120 {
        %add3A_142 = arith.constant 1 : i32
        %add3A_143 = arith.addi %add3A_104, %add3A_142 : i32
        %add3A_144 = arith.addi %select_n3A, %add3A_143 : i32
        %min3A_145 = arith.constant 2538 : i32
        %min3A_146 = arith.minsi %add3A_144, %min3A_145 : i32
        %mul3A_147 = arith.constant 1024 : i32
        %mul3A_148 = arith.muli %min3A_146, %mul3A_147 : i32
        %dma_start3A_149 = arith.constant 0 : i32
        %dma_start3A_150 = arith.constant 0 : i32
        %dma_start3A_151 = tpu.memref_slice %arg4[%dma_start3A_149, %dma_start3A_150] : memref<16x1152xf32, #tpu.memory_space<vmem>> -> memref<16x1024xf32, #tpu.memory_space<vmem>>
        %dma_start3A_152 = arith.constant 0 : i32
        %dma_start3A_153 = tpu.memref_slice %arg2[%dma_start3A_152, %mul3A_148] : memref<16x2600000xf32, #tpu.memory_space<hbm>> -> memref<16x1024xf32, #tpu.memory_space<hbm>>
        %dma_start3A_154 = arith.constant 0 : i32
        %dma_start3A_155 = arith.constant 0 : i32
        %dma_start3A_156 = tpu.memref_slice %arg4[%dma_start3A_154, %dma_start3A_155] : memref<16x1152xf32, #tpu.memory_space<vmem>> -> memref<16x1024xf32, #tpu.memory_space<vmem>>
        %dma_start3A_157 = arith.constant 0 : i32
        %dma_start3A_158 = tpu.memref_slice %arg2[%dma_start3A_157, %mul3A_148] : memref<16x2600000xf32, #tpu.memory_space<hbm>> -> memref<16x1024xf32, #tpu.memory_space<hbm>>
        tpu.enqueue_dma source(%dma_start3A_158 : memref<16x1024xf32, #tpu.memory_space<hbm>>) target(%dma_start3A_156 : memref<16x1024xf32, #tpu.memory_space<vmem>>) target_semaphore(%arg9 : memref<!tpu.dma_semaphore, #tpu.memory_space<semaphore_mem>>)
      } else {
      }
      %ge3A_121 = arith.constant 1 : i32
      %ge3A_122 = arith.cmpi sge, %scan3A_48, %ge3A_121 : i32
      %convert_element_type3A_123 = arith.extui %ge3A_122 : i1 to i32
      %cond3A_124 = arith.constant 0 : i32
      %cond3A_125 = arith.cmpi ne, %convert_element_type3A_123, %cond3A_124 : i32
      scf.if %cond3A_125 {
        %dma_wait3A_142 = arith.constant 0 : i32
        %dma_wait3A_143 = tpu.memref_slice %arg3[%dma_wait3A_142] : memref<41600000xf32, #tpu.memory_space<hbm>> -> memref<16384xf32, #tpu.memory_space<hbm>>
        %dma_wait3A_144 = arith.constant 0 : i32
        %dma_wait3A_145 = tpu.memref_slice %arg3[%dma_wait3A_144] : memref<41600000xf32, #tpu.memory_space<hbm>> -> memref<16384xf32, #tpu.memory_space<hbm>>
        tpu.wait_dma2 semaphore(%arg12 : memref<!tpu.dma_semaphore, #tpu.memory_space<semaphore_mem>>) src(%arg6 : memref<16384xf32, #tpu.memory_space<vmem>>) dst(%dma_wait3A_145 : memref<16384xf32, #tpu.memory_space<hbm>>)
      } else {
      }
      %iota3A_126 = tpu.iota {dimensions = array<i32: 0>} : vector<16xi32>
      %scan3A_127 = arith.constant 0 : i32
      %scan3A_128 = arith.constant 0 : i32
      %scan3A_129 = arith.constant 128 : i32
      %scan3A_130 = arith.addi %scan3A_128, %scan3A_129 : i32
      %scan3A_131 = arith.constant 1 : i32
      %scan3A_132 = scf.for %scan3A_142 = %scan3A_128 to %scan3A_130 step %scan3A_131 iter_args(%scan3A_143 = %scan3A_127) -> (i32)  : i32 {
        %mul3A_144 = arith.constant 8 : i32
        %mul3A_145 = arith.muli %scan3A_142, %mul3A_144 : i32
        %add3A_146 = arith.constant 0 : i32
        %add3A_147 = arith.addi %mul3A_145, %add3A_146 : i32
        %broadcast_in_dim3A = vector.broadcast %add3A_147 : i32 to vector<16xi32>
        %gather3A = tpu.vector_load_idx %arg5[%iota3A_126, %broadcast_in_dim3A] : memref<16x1152xf32, #tpu.memory_space<vmem>>[vector<16xi32>, vector<16xi32>], vector<16xf32>,
        %add3A_148 = arith.constant 0 : i32
        %add3A_149 = arith.addi %mul3A_145, %add3A_148 : i32
        %mul3A_150 = arith.constant 16 : i32
        %mul3A_151 = arith.muli %add3A_149, %mul3A_150 : i32
        %swap3A = arith.index_cast %mul3A_151 : i32 to index
        %swap3A_152 = tpu.vector_load %arg7[%swap3A] {strides = array<i32>} : memref<16384xf32, #tpu.memory_space<vmem>>, vector<16xf32>,
        tpu.vector_store %arg7[%swap3A], %gather3A {strides = array<i32>} : memref<16384xf32, #tpu.memory_space<vmem>>, vector<16xf32>,
        %add3A_153 = arith.constant 1 : i32
        %add3A_154 = arith.addi %mul3A_145, %add3A_153 : i32
        %broadcast_in_dim3A_155 = vector.broadcast %add3A_154 : i32 to vector<16xi32>
        %gather3A_156 = tpu.vector_load_idx %arg5[%iota3A_126, %broadcast_in_dim3A_155] : memref<16x1152xf32, #tpu.memory_space<vmem>>[vector<16xi32>, vector<16xi32>], vector<16xf32>,
        %add3A_157 = arith.constant 1 : i32
        %add3A_158 = arith.addi %mul3A_145, %add3A_157 : i32
        %mul3A_159 = arith.constant 16 : i32
        %mul3A_160 = arith.muli %add3A_158, %mul3A_159 : i32
        %swap3A_161 = arith.index_cast %mul3A_160 : i32 to index
        %swap3A_162 = tpu.vector_load %arg7[%swap3A_161] {strides = array<i32>} : memref<16384xf32, #tpu.memory_space<vmem>>, vector<16xf32>,
        tpu.vector_store %arg7[%swap3A_161], %gather3A_156 {strides = array<i32>} : memref<16384xf32, #tpu.memory_space<vmem>>, vector<16xf32>,
        %add3A_163 = arith.constant 2 : i32
        %add3A_164 = arith.addi %mul3A_145, %add3A_163 : i32
        %broadcast_in_dim3A_165 = vector.broadcast %add3A_164 : i32 to vector<16xi32>
        %gather3A_166 = tpu.vector_load_idx %arg5[%iota3A_126, %broadcast_in_dim3A_165] : memref<16x1152xf32, #tpu.memory_space<vmem>>[vector<16xi32>, vector<16xi32>], vector<16xf32>,
        %add3A_167 = arith.constant 2 : i32
        %add3A_168 = arith.addi %mul3A_145, %add3A_167 : i32
        %mul3A_169 = arith.constant 16 : i32
        %mul3A_170 = arith.muli %add3A_168, %mul3A_169 : i32
        %swap3A_171 = arith.index_cast %mul3A_170 : i32 to index
        %swap3A_172 = tpu.vector_load %arg7[%swap3A_171] {strides = array<i32>} : memref<16384xf32, #tpu.memory_space<vmem>>, vector<16xf32>,
        tpu.vector_store %arg7[%swap3A_171], %gather3A_166 {strides = array<i32>} : memref<16384xf32, #tpu.memory_space<vmem>>, vector<16xf32>,
        %add3A_173 = arith.constant 3 : i32
        %add3A_174 = arith.addi %mul3A_145, %add3A_173 : i32
        %broadcast_in_dim3A_175 = vector.broadcast %add3A_174 : i32 to vector<16xi32>
        %gather3A_176 = tpu.vector_load_idx %arg5[%iota3A_126, %broadcast_in_dim3A_175] : memref<16x1152xf32, #tpu.memory_space<vmem>>[vector<16xi32>, vector<16xi32>], vector<16xf32>,
        %add3A_177 = arith.constant 3 : i32
        %add3A_178 = arith.addi %mul3A_145, %add3A_177 : i32
        %mul3A_179 = arith.constant 16 : i32
        %mul3A_180 = arith.muli %add3A_178, %mul3A_179 : i32
        %swap3A_181 = arith.index_cast %mul3A_180 : i32 to index
        %swap3A_182 = tpu.vector_load %arg7[%swap3A_181] {strides = array<i32>} : memref<16384xf32, #tpu.memory_space<vmem>>, vector<16xf32>,
        tpu.vector_store %arg7[%swap3A_181], %gather3A_176 {strides = array<i32>} : memref<16384xf32, #tpu.memory_space<vmem>>, vector<16xf32>,
        %add3A_183 = arith.constant 4 : i32
        %add3A_184 = arith.addi %mul3A_145, %add3A_183 : i32
        %broadcast_in_dim3A_185 = vector.broadcast %add3A_184 : i32 to vector<16xi32>
        %gather3A_186 = tpu.vector_load_idx %arg5[%iota3A_126, %broadcast_in_dim3A_185] : memref<16x1152xf32, #tpu.memory_space<vmem>>[vector<16xi32>, vector<16xi32>], vector<16xf32>,
        %add3A_187 = arith.constant 4 : i32
        %add3A_188 = arith.addi %mul3A_145, %add3A_187 : i32
        %mul3A_189 = arith.constant 16 : i32
        %mul3A_190 = arith.muli %add3A_188, %mul3A_189 : i32
        %swap3A_191 = arith.index_cast %mul3A_190 : i32 to index
        %swap3A_192 = tpu.vector_load %arg7[%swap3A_191] {strides = array<i32>} : memref<16384xf32, #tpu.memory_space<vmem>>, vector<16xf32>,
        tpu.vector_store %arg7[%swap3A_191], %gather3A_186 {strides = array<i32>} : memref<16384xf32, #tpu.memory_space<vmem>>, vector<16xf32>,
        %add3A_193 = arith.constant 5 : i32
        %add3A_194 = arith.addi %mul3A_145, %add3A_193 : i32
        %broadcast_in_dim3A_195 = vector.broadcast %add3A_194 : i32 to vector<16xi32>
        %gather3A_196 = tpu.vector_load_idx %arg5[%iota3A_126, %broadcast_in_dim3A_195] : memref<16x1152xf32, #tpu.memory_space<vmem>>[vector<16xi32>, vector<16xi32>], vector<16xf32>,
        %add3A_197 = arith.constant 5 : i32
        %add3A_198 = arith.addi %mul3A_145, %add3A_197 : i32
        %mul3A_199 = arith.constant 16 : i32
        %mul3A_200 = arith.muli %add3A_198, %mul3A_199 : i32
        %swap3A_201 = arith.index_cast %mul3A_200 : i32 to index
        %swap3A_202 = tpu.vector_load %arg7[%swap3A_201] {strides = array<i32>} : memref<16384xf32, #tpu.memory_space<vmem>>, vector<16xf32>,
        tpu.vector_store %arg7[%swap3A_201], %gather3A_196 {strides = array<i32>} : memref<16384xf32, #tpu.memory_space<vmem>>, vector<16xf32>,
        %add3A_203 = arith.constant 6 : i32
        %add3A_204 = arith.addi %mul3A_145, %add3A_203 : i32
        %broadcast_in_dim3A_205 = vector.broadcast %add3A_204 : i32 to vector<16xi32>
        %gather3A_206 = tpu.vector_load_idx %arg5[%iota3A_126, %broadcast_in_dim3A_205] : memref<16x1152xf32, #tpu.memory_space<vmem>>[vector<16xi32>, vector<16xi32>], vector<16xf32>,
        %add3A_207 = arith.constant 6 : i32
        %add3A_208 = arith.addi %mul3A_145, %add3A_207 : i32
        %mul3A_209 = arith.constant 16 : i32
        %mul3A_210 = arith.muli %add3A_208, %mul3A_209 : i32
        %swap3A_211 = arith.index_cast %mul3A_210 : i32 to index
        %swap3A_212 = tpu.vector_load %arg7[%swap3A_211] {strides = array<i32>} : memref<16384xf32, #tpu.memory_space<vmem>>, vector<16xf32>,
        tpu.vector_store %arg7[%swap3A_211], %gather3A_206 {strides = array<i32>} : memref<16384xf32, #tpu.memory_space<vmem>>, vector<16xf32>,
        %add3A_213 = arith.constant 7 : i32
        %add3A_214 = arith.addi %mul3A_145, %add3A_213 : i32
        %broadcast_in_dim3A_215 = vector.broadcast %add3A_214 : i32 to vector<16xi32>
        %gather3A_216 = tpu.vector_load_idx %arg5[%iota3A_126, %broadcast_in_dim3A_215] : memref<16x1152xf32, #tpu.memory_space<vmem>>[vector<16xi32>, vector<16xi32>], vector<16xf32>,
        %add3A_217 = arith.constant 7 : i32
        %add3A_218 = arith.addi %mul3A_145, %add3A_217 : i32
        %mul3A_219 = arith.constant 16 : i32
        %mul3A_220 = arith.muli %add3A_218, %mul3A_219 : i32
        %swap3A_221 = arith.index_cast %mul3A_220 : i32 to index
        %swap3A_222 = tpu.vector_load %arg7[%swap3A_221] {strides = array<i32>} : memref<16384xf32, #tpu.memory_space<vmem>>, vector<16xf32>,
        tpu.vector_store %arg7[%swap3A_221], %gather3A_216 {strides = array<i32>} : memref<16384xf32, #tpu.memory_space<vmem>>, vector<16xf32>,
        %scan3A_223 = arith.constant 0 : i32
        scf.yield %scan3A_223 : i32
      }
      %scan3A_133 = arith.constant 128 : i32
      %add3A_134 = arith.addi %select_n3A, %add3A_104 : i32
      %min3A_135 = arith.constant 2538 : i32
      %min3A_136 = arith.minsi %add3A_134, %min3A_135 : i32
      %mul3A_137 = arith.constant 16384 : i32
      %mul3A_138 = arith.muli %min3A_136, %mul3A_137 : i32
      %dma_start3A_139 = tpu.memref_slice %arg3[%mul3A_138] : memref<41600000xf32, #tpu.memory_space<hbm>> -> memref<16384xf32, #tpu.memory_space<hbm>>
      %dma_start3A_140 = tpu.memref_slice %arg3[%mul3A_138] : memref<41600000xf32, #tpu.memory_space<hbm>> -> memref<16384xf32, #tpu.memory_space<hbm>>
      tpu.enqueue_dma source(%arg7 : memref<16384xf32, #tpu.memory_space<vmem>>) target(%dma_start3A_140 : memref<16384xf32, #tpu.memory_space<hbm>>) target_semaphore(%arg12 : memref<!tpu.dma_semaphore, #tpu.memory_space<semaphore_mem>>)
      %scan3A_141 = arith.constant 0 : i32
      scf.yield %scan3A_141 : i32
    }
    %scan3A_38 = arith.constant 40 : i32
    %dma_wait3A = arith.constant 0 : i32
    %dma_wait3A_39 = tpu.memref_slice %arg3[%dma_wait3A] : memref<41600000xf32, #tpu.memory_space<hbm>> -> memref<16384xf32, #tpu.memory_space<hbm>>
    %dma_wait3A_40 = arith.constant 0 : i32
    %dma_wait3A_41 = tpu.memref_slice %arg3[%dma_wait3A_40] : memref<41600000xf32, #tpu.memory_space<hbm>> -> memref<16384xf32, #tpu.memory_space<hbm>>
    tpu.wait_dma2 semaphore(%arg11 : memref<!tpu.dma_semaphore, #tpu.memory_space<semaphore_mem>>) src(%arg6 : memref<16384xf32, #tpu.memory_space<vmem>>) dst(%dma_wait3A_41 : memref<16384xf32, #tpu.memory_space<hbm>>)
    %dma_wait3A_42 = arith.constant 0 : i32
    %dma_wait3A_43 = tpu.memref_slice %arg3[%dma_wait3A_42] : memref<41600000xf32, #tpu.memory_space<hbm>> -> memref<16384xf32, #tpu.memory_space<hbm>>
    %dma_wait3A_44 = arith.constant 0 : i32
    %dma_wait3A_45 = tpu.memref_slice %arg3[%dma_wait3A_44] : memref<41600000xf32, #tpu.memory_space<hbm>> -> memref<16384xf32, #tpu.memory_space<hbm>>
    tpu.wait_dma2 semaphore(%arg12 : memref<!tpu.dma_semaphore, #tpu.memory_space<semaphore_mem>>) src(%arg7 : memref<16384xf32, #tpu.memory_space<vmem>>) dst(%dma_wait3A_45 : memref<16384xf32, #tpu.memory_space<hbm>>)
    %eq3A = arith.constant 31 : i32
    %eq3A_46 = arith.cmpi eq, %add3A, %eq3A : i32
    %convert_element_type3A = arith.extui %eq3A_46 : i1 to i32
    %cond3A = arith.constant 0 : i32
    %cond3A_47 = arith.cmpi ne, %convert_element_type3A, %cond3A : i32
    scf.if %cond3A_47 {
      "tpu.region"() ({
        %run_scoped3A = tpu.sem_alloc : memref<!tpu.dma_semaphore, #tpu.memory_space<semaphore_mem>>
        %dma_start3A_71 = arith.constant 0 : i32
        %dma_start3A_72 = arith.constant 2599936 : i32
        %dma_start3A_73 = tpu.memref_slice %arg2[%dma_start3A_71, %dma_start3A_72] : memref<16x2600000xf32, #tpu.memory_space<hbm>> -> memref<16x64xf32, #tpu.memory_space<hbm>>
        %dma_start3A_74 = arith.constant 0 : i32
        %dma_start3A_75 = arith.constant 2599936 : i32
        %dma_start3A_76 = tpu.memref_slice %arg2[%dma_start3A_74, %dma_start3A_75] : memref<16x2600000xf32, #tpu.memory_space<hbm>> -> memref<16x64xf32, #tpu.memory_space<hbm>>
        tpu.enqueue_dma source(%dma_start3A_76 : memref<16x64xf32, #tpu.memory_space<hbm>>) target(%arg8 : memref<16x64xf32, #tpu.memory_space<vmem>>) target_semaphore(%run_scoped3A : memref<!tpu.dma_semaphore, #tpu.memory_space<semaphore_mem>>)
        %dma_wait3A_77 = arith.constant 0 : i32
        %dma_wait3A_78 = arith.constant 2599936 : i32
        %dma_wait3A_79 = tpu.memref_slice %arg2[%dma_wait3A_77, %dma_wait3A_78] : memref<16x2600000xf32, #tpu.memory_space<hbm>> -> memref<16x64xf32, #tpu.memory_space<hbm>>
        %dma_wait3A_80 = arith.constant 0 : i32
        %dma_wait3A_81 = arith.constant 2599936 : i32
        %dma_wait3A_82 = tpu.memref_slice %arg2[%dma_wait3A_80, %dma_wait3A_81] : memref<16x2600000xf32, #tpu.memory_space<hbm>> -> memref<16x64xf32, #tpu.memory_space<hbm>>
        tpu.wait_dma2 semaphore(%run_scoped3A : memref<!tpu.dma_semaphore, #tpu.memory_space<semaphore_mem>>) src(%dma_wait3A_82 : memref<16x64xf32, #tpu.memory_space<hbm>>) dst(%arg8 : memref<16x64xf32, #tpu.memory_space<vmem>>)
        tpu.yield
      }) : () -> ()
      %iota3A = tpu.iota {dimensions = array<i32: 0>} : vector<16xi32>
      %scan3A_48 = arith.constant 0 : i32
      %scan3A_49 = arith.constant 0 : i32
      %scan3A_50 = arith.constant 64 : i32
      %scan3A_51 = arith.addi %scan3A_49, %scan3A_50 : i32
      %scan3A_52 = arith.constant 1 : i32
      %scan3A_53 = scf.for %scan3A_71 = %scan3A_49 to %scan3A_51 step %scan3A_52 iter_args(%scan3A_72 = %scan3A_48) -> (i32)  : i32 {
        %broadcast_in_dim3A = vector.broadcast %scan3A_71 : i32 to vector<16xi32>
        %gather3A = tpu.vector_load_idx %arg8[%iota3A, %broadcast_in_dim3A] : memref<16x64xf32, #tpu.memory_space<vmem>>[vector<16xi32>, vector<16xi32>], vector<16xf32>,
        %mul3A_73 = arith.constant 16 : i32
        %mul3A_74 = arith.muli %scan3A_71, %mul3A_73 : i32
        %swap3A = arith.index_cast %mul3A_74 : i32 to index
        %swap3A_75 = tpu.vector_load %arg6[%swap3A] {strides = array<i32>} : memref<16384xf32, #tpu.memory_space<vmem>>, vector<16xf32>,
        tpu.vector_store %arg6[%swap3A], %gather3A {strides = array<i32>} : memref<16384xf32, #tpu.memory_space<vmem>>, vector<16xf32>,
        %scan3A_76 = arith.constant 0 : i32
        scf.yield %scan3A_76 : i32
      }
      %scan3A_54 = arith.constant 64 : i32
      %dma_start3A_55 = arith.constant 0 : i32
      %dma_start3A_56 = tpu.memref_slice %arg6[%dma_start3A_55] : memref<16384xf32, #tpu.memory_space<vmem>> -> memref<1024xf32, #tpu.memory_space<vmem>>
      %dma_start3A_57 = arith.constant 41598976 : i32
      %dma_start3A_58 = tpu.memref_slice %arg3[%dma_start3A_57] : memref<41600000xf32, #tpu.memory_space<hbm>> -> memref<1024xf32, #tpu.memory_space<hbm>>
      %dma_start3A_59 = arith.constant 41598976 : i32
      %dma_start3A_60 = tpu.memref_slice %arg3[%dma_start3A_59] : memref<41600000xf32, #tpu.memory_space<hbm>> -> memref<1024xf32, #tpu.memory_space<hbm>>
      %dma_start3A_61 = arith.constant 0 : i32
      %dma_start3A_62 = tpu.memref_slice %arg6[%dma_start3A_61] : memref<16384xf32, #tpu.memory_space<vmem>> -> memref<1024xf32, #tpu.memory_space<vmem>>
      tpu.enqueue_dma source(%dma_start3A_62 : memref<1024xf32, #tpu.memory_space<vmem>>) target(%dma_start3A_60 : memref<1024xf32, #tpu.memory_space<hbm>>) target_semaphore(%arg13 : memref<!tpu.dma_semaphore, #tpu.memory_space<semaphore_mem>>)
      %dma_wait3A_63 = arith.constant 0 : i32
      %dma_wait3A_64 = tpu.memref_slice %arg6[%dma_wait3A_63] : memref<16384xf32, #tpu.memory_space<vmem>> -> memref<1024xf32, #tpu.memory_space<vmem>>
      %dma_wait3A_65 = arith.constant 41598976 : i32
      %dma_wait3A_66 = tpu.memref_slice %arg3[%dma_wait3A_65] : memref<41600000xf32, #tpu.memory_space<hbm>> -> memref<1024xf32, #tpu.memory_space<hbm>>
      %dma_wait3A_67 = arith.constant 41598976 : i32
      %dma_wait3A_68 = tpu.memref_slice %arg3[%dma_wait3A_67] : memref<41600000xf32, #tpu.memory_space<hbm>> -> memref<1024xf32, #tpu.memory_space<hbm>>
      %dma_wait3A_69 = arith.constant 0 : i32
      %dma_wait3A_70 = tpu.memref_slice %arg6[%dma_wait3A_69] : memref<16384xf32, #tpu.memory_space<vmem>> -> memref<1024xf32, #tpu.memory_space<vmem>>
      tpu.wait_dma2 semaphore(%arg13 : memref<!tpu.dma_semaphore, #tpu.memory_space<semaphore_mem>>) src(%dma_wait3A_70 : memref<1024xf32, #tpu.memory_space<vmem>>) dst(%dma_wait3A_68 : memref<1024xf32, #tpu.memory_space<hbm>>)
    } else {
    }
    return
  }
}

#map = affine_map<(d0, d1) -> (0)>
#map1 = affine_map<(d0, d1) -> (0, 0)>
module attributes {stable_mosaic.version = 14 : i64} {
  func.func @_sc_body(%arg0: i32, %arg1: i32, %arg2: memref<425984xi32, #tpu.memory_space<hbm>>, %arg3: memref<2600000x16xf32, #tpu.memory_space<hbm>>, %arg4: memref<2600000xf32, #tpu.memory_space<hbm>>, %arg5: memref<425984x16xf32, #tpu.memory_space<hbm>>, %arg6: memref<16384xf32, #tpu.memory_space<hbm>>, %arg7: memref<1664xi32, #tpu.memory_space<vmem>>, %arg8: memref<1664x16xf32, #tpu.memory_space<vmem>>, %arg9: memref<13312xi32, #tpu.memory_space<vmem>>, %arg10: memref<13312xf32, #tpu.memory_space<vmem>>, %arg11: memref<512xf32, #tpu.memory_space<vmem>>, %arg12: memref<!tpu.dma_semaphore, #tpu.memory_space<semaphore_mem>>, %arg13: memref<!tpu.dma_semaphore, #tpu.memory_space<semaphore_mem>>) attributes {dimension_semantics = [#tpu.dimension_semantics<core_parallel>, #tpu.dimension_semantics<subcore_parallel>], iteration_bounds = array<i64: 2, 16>, scalar_prefetch = 0 : i64, scratch_operands = 7 : i64, tpu.core_type = #tpu.core_type<sc_vector_subcore>, window_params = [{transform_indices = #map}, {transform_indices = #map1}, {transform_indices = #map}, {transform_indices = #map1}, {transform_indices = #map}]} {
    %mul3A = arith.constant 2 : i32
    %mul3A_0 = arith.muli %arg1, %mul3A : i32
    %add3A = arith.addi %mul3A_0, %arg0 : i32
    %mul3A_1 = arith.constant 13312 : i32
    %mul3A_2 = arith.muli %add3A, %mul3A_1 : i32
    "tpu.region"() ({
      %run_scoped3A = tpu.sem_alloc : memref<!tpu.dma_semaphore, #tpu.memory_space<semaphore_mem>>
      %dma_start3A_96 = tpu.memref_slice %arg2[%mul3A_2] : memref<425984xi32, #tpu.memory_space<hbm>> -> memref<13312xi32, #tpu.memory_space<hbm>>
      %dma_start3A_97 = tpu.memref_slice %arg2[%mul3A_2] : memref<425984xi32, #tpu.memory_space<hbm>> -> memref<13312xi32, #tpu.memory_space<hbm>>
      tpu.enqueue_dma source(%dma_start3A_97 : memref<13312xi32, #tpu.memory_space<hbm>>) target(%arg9 : memref<13312xi32, #tpu.memory_space<vmem>>) target_semaphore(%run_scoped3A : memref<!tpu.dma_semaphore, #tpu.memory_space<semaphore_mem>>)
      %dma_wait3A_98 = tpu.memref_slice %arg2[%mul3A_2] : memref<425984xi32, #tpu.memory_space<hbm>> -> memref<13312xi32, #tpu.memory_space<hbm>>
      %dma_wait3A_99 = tpu.memref_slice %arg2[%mul3A_2] : memref<425984xi32, #tpu.memory_space<hbm>> -> memref<13312xi32, #tpu.memory_space<hbm>>
      tpu.wait_dma2 semaphore(%run_scoped3A : memref<!tpu.dma_semaphore, #tpu.memory_space<semaphore_mem>>) src(%dma_wait3A_99 : memref<13312xi32, #tpu.memory_space<hbm>>) dst(%arg9 : memref<13312xi32, #tpu.memory_space<vmem>>)
      tpu.yield
    }) : () -> ()
    %dma_start3A = arith.constant 0 : i32
    %dma_start3A_3 = tpu.memref_slice %arg4[%dma_start3A] : memref<2600000xf32, #tpu.memory_space<hbm>> -> memref<2600000xf32, #tpu.memory_space<hbm>>
    tpu.enqueue_indirect_dma source(%dma_start3A_3 : memref<2600000xf32, #tpu.memory_space<hbm>>) target(%arg10 : memref<13312xf32, #tpu.memory_space<vmem>>) offsets(%arg9 : memref<13312xi32, #tpu.memory_space<vmem>>) semaphore(%arg13 : memref<!tpu.dma_semaphore, #tpu.memory_space<semaphore_mem>>)
    %add3A_4 = arith.constant 0 : i32
    %add3A_5 = arith.addi %mul3A_2, %add3A_4 : i32
    "tpu.region"() ({
      %run_scoped3A = tpu.sem_alloc : memref<!tpu.dma_semaphore, #tpu.memory_space<semaphore_mem>>
      %dma_start3A_96 = tpu.memref_slice %arg2[%add3A_5] : memref<425984xi32, #tpu.memory_space<hbm>> -> memref<1664xi32, #tpu.memory_space<hbm>>
      %dma_start3A_97 = tpu.memref_slice %arg2[%add3A_5] : memref<425984xi32, #tpu.memory_space<hbm>> -> memref<1664xi32, #tpu.memory_space<hbm>>
      tpu.enqueue_dma source(%dma_start3A_97 : memref<1664xi32, #tpu.memory_space<hbm>>) target(%arg7 : memref<1664xi32, #tpu.memory_space<vmem>>) target_semaphore(%run_scoped3A : memref<!tpu.dma_semaphore, #tpu.memory_space<semaphore_mem>>)
      %dma_wait3A_98 = tpu.memref_slice %arg2[%add3A_5] : memref<425984xi32, #tpu.memory_space<hbm>> -> memref<1664xi32, #tpu.memory_space<hbm>>
      %dma_wait3A_99 = tpu.memref_slice %arg2[%add3A_5] : memref<425984xi32, #tpu.memory_space<hbm>> -> memref<1664xi32, #tpu.memory_space<hbm>>
      tpu.wait_dma2 semaphore(%run_scoped3A : memref<!tpu.dma_semaphore, #tpu.memory_space<semaphore_mem>>) src(%dma_wait3A_99 : memref<1664xi32, #tpu.memory_space<hbm>>) dst(%arg7 : memref<1664xi32, #tpu.memory_space<vmem>>)
      tpu.yield
    }) : () -> ()
    %dma_start3A_6 = arith.constant 0 : i32
    %dma_start3A_7 = arith.constant 0 : i32
    %dma_start3A_8 = tpu.memref_slice %arg3[%dma_start3A_6, %dma_start3A_7] : memref<2600000x16xf32, #tpu.memory_space<hbm>> -> memref<2600000x16xf32, #tpu.memory_space<hbm>>
    tpu.enqueue_indirect_dma source(%dma_start3A_8 : memref<2600000x16xf32, #tpu.memory_space<hbm>>) target(%arg8 : memref<1664x16xf32, #tpu.memory_space<vmem>>) offsets(%arg7 : memref<1664xi32, #tpu.memory_space<vmem>>) semaphore(%arg12 : memref<!tpu.dma_semaphore, #tpu.memory_space<semaphore_mem>>)
    %dma_wait3A = arith.constant 0 : i32
    %dma_wait3A_9 = arith.constant 0 : i32
    %dma_wait3A_10 = tpu.memref_slice %arg3[%dma_wait3A, %dma_wait3A_9] : memref<2600000x16xf32, #tpu.memory_space<hbm>> -> memref<2600000x16xf32, #tpu.memory_space<hbm>>
    tpu.wait_indirect_dma semaphore(%arg12 : memref<!tpu.dma_semaphore, #tpu.memory_space<semaphore_mem>>) src(%dma_wait3A_10 : memref<2600000x16xf32, #tpu.memory_space<hbm>>) dst(%arg8 : memref<1664x16xf32, #tpu.memory_space<vmem>>)
    %add3A_11 = arith.constant 0 : i32
    %add3A_12 = arith.addi %mul3A_2, %add3A_11 : i32
    "tpu.region"() ({
      %run_scoped3A = tpu.sem_alloc : memref<!tpu.dma_semaphore, #tpu.memory_space<semaphore_mem>>
      %dma_start3A_96 = arith.constant 0 : i32
      %dma_start3A_97 = tpu.memref_slice %arg5[%add3A_12, %dma_start3A_96] : memref<425984x16xf32, #tpu.memory_space<hbm>> -> memref<1664x16xf32, #tpu.memory_space<hbm>>
      %dma_start3A_98 = arith.constant 0 : i32
      %dma_start3A_99 = tpu.memref_slice %arg5[%add3A_12, %dma_start3A_98] : memref<425984x16xf32, #tpu.memory_space<hbm>> -> memref<1664x16xf32, #tpu.memory_space<hbm>>
      tpu.enqueue_dma source(%arg8 : memref<1664x16xf32, #tpu.memory_space<vmem>>) target(%dma_start3A_99 : memref<1664x16xf32, #tpu.memory_space<hbm>>) target_semaphore(%run_scoped3A : memref<!tpu.dma_semaphore, #tpu.memory_space<semaphore_mem>>)
      %dma_wait3A_100 = arith.constant 0 : i32
      %dma_wait3A_101 = tpu.memref_slice %arg5[%add3A_12, %dma_wait3A_100] : memref<425984x16xf32, #tpu.memory_space<hbm>> -> memref<1664x16xf32, #tpu.memory_space<hbm>>
      %dma_wait3A_102 = arith.constant 0 : i32
      %dma_wait3A_103 = tpu.memref_slice %arg5[%add3A_12, %dma_wait3A_102] : memref<425984x16xf32, #tpu.memory_space<hbm>> -> memref<1664x16xf32, #tpu.memory_space<hbm>>
      tpu.wait_dma2 semaphore(%run_scoped3A : memref<!tpu.dma_semaphore, #tpu.memory_space<semaphore_mem>>) src(%arg8 : memref<1664x16xf32, #tpu.memory_space<vmem>>) dst(%dma_wait3A_103 : memref<1664x16xf32, #tpu.memory_space<hbm>>)
      tpu.yield
    }) : () -> ()
    %add3A_13 = arith.constant 1664 : i32
    %add3A_14 = arith.addi %mul3A_2, %add3A_13 : i32
    "tpu.region"() ({
      %run_scoped3A = tpu.sem_alloc : memref<!tpu.dma_semaphore, #tpu.memory_space<semaphore_mem>>
      %dma_start3A_96 = tpu.memref_slice %arg2[%add3A_14] : memref<425984xi32, #tpu.memory_space<hbm>> -> memref<1664xi32, #tpu.memory_space<hbm>>
      %dma_start3A_97 = tpu.memref_slice %arg2[%add3A_14] : memref<425984xi32, #tpu.memory_space<hbm>> -> memref<1664xi32, #tpu.memory_space<hbm>>
      tpu.enqueue_dma source(%dma_start3A_97 : memref<1664xi32, #tpu.memory_space<hbm>>) target(%arg7 : memref<1664xi32, #tpu.memory_space<vmem>>) target_semaphore(%run_scoped3A : memref<!tpu.dma_semaphore, #tpu.memory_space<semaphore_mem>>)
      %dma_wait3A_98 = tpu.memref_slice %arg2[%add3A_14] : memref<425984xi32, #tpu.memory_space<hbm>> -> memref<1664xi32, #tpu.memory_space<hbm>>
      %dma_wait3A_99 = tpu.memref_slice %arg2[%add3A_14] : memref<425984xi32, #tpu.memory_space<hbm>> -> memref<1664xi32, #tpu.memory_space<hbm>>
      tpu.wait_dma2 semaphore(%run_scoped3A : memref<!tpu.dma_semaphore, #tpu.memory_space<semaphore_mem>>) src(%dma_wait3A_99 : memref<1664xi32, #tpu.memory_space<hbm>>) dst(%arg7 : memref<1664xi32, #tpu.memory_space<vmem>>)
      tpu.yield
    }) : () -> ()
    %dma_start3A_15 = arith.constant 0 : i32
    %dma_start3A_16 = arith.constant 0 : i32
    %dma_start3A_17 = tpu.memref_slice %arg3[%dma_start3A_15, %dma_start3A_16] : memref<2600000x16xf32, #tpu.memory_space<hbm>> -> memref<2600000x16xf32, #tpu.memory_space<hbm>>
    tpu.enqueue_indirect_dma source(%dma_start3A_17 : memref<2600000x16xf32, #tpu.memory_space<hbm>>) target(%arg8 : memref<1664x16xf32, #tpu.memory_space<vmem>>) offsets(%arg7 : memref<1664xi32, #tpu.memory_space<vmem>>) semaphore(%arg12 : memref<!tpu.dma_semaphore, #tpu.memory_space<semaphore_mem>>)
    %dma_wait3A_18 = arith.constant 0 : i32
    %dma_wait3A_19 = arith.constant 0 : i32
    %dma_wait3A_20 = tpu.memref_slice %arg3[%dma_wait3A_18, %dma_wait3A_19] : memref<2600000x16xf32, #tpu.memory_space<hbm>> -> memref<2600000x16xf32, #tpu.memory_space<hbm>>
    tpu.wait_indirect_dma semaphore(%arg12 : memref<!tpu.dma_semaphore, #tpu.memory_space<semaphore_mem>>) src(%dma_wait3A_20 : memref<2600000x16xf32, #tpu.memory_space<hbm>>) dst(%arg8 : memref<1664x16xf32, #tpu.memory_space<vmem>>)
    %add3A_21 = arith.constant 1664 : i32
    %add3A_22 = arith.addi %mul3A_2, %add3A_21 : i32
    "tpu.region"() ({
      %run_scoped3A = tpu.sem_alloc : memref<!tpu.dma_semaphore, #tpu.memory_space<semaphore_mem>>
      %dma_start3A_96 = arith.constant 0 : i32
      %dma_start3A_97 = tpu.memref_slice %arg5[%add3A_22, %dma_start3A_96] : memref<425984x16xf32, #tpu.memory_space<hbm>> -> memref<1664x16xf32, #tpu.memory_space<hbm>>
      %dma_start3A_98 = arith.constant 0 : i32
      %dma_start3A_99 = tpu.memref_slice %arg5[%add3A_22, %dma_start3A_98] : memref<425984x16xf32, #tpu.memory_space<hbm>> -> memref<1664x16xf32, #tpu.memory_space<hbm>>
      tpu.enqueue_dma source(%arg8 : memref<1664x16xf32, #tpu.memory_space<vmem>>) target(%dma_start3A_99 : memref<1664x16xf32, #tpu.memory_space<hbm>>) target_semaphore(%run_scoped3A : memref<!tpu.dma_semaphore, #tpu.memory_space<semaphore_mem>>)
      %dma_wait3A_100 = arith.constant 0 : i32
      %dma_wait3A_101 = tpu.memref_slice %arg5[%add3A_22, %dma_wait3A_100] : memref<425984x16xf32, #tpu.memory_space<hbm>> -> memref<1664x16xf32, #tpu.memory_space<hbm>>
      %dma_wait3A_102 = arith.constant 0 : i32
      %dma_wait3A_103 = tpu.memref_slice %arg5[%add3A_22, %dma_wait3A_102] : memref<425984x16xf32, #tpu.memory_space<hbm>> -> memref<1664x16xf32, #tpu.memory_space<hbm>>
      tpu.wait_dma2 semaphore(%run_scoped3A : memref<!tpu.dma_semaphore, #tpu.memory_space<semaphore_mem>>) src(%arg8 : memref<1664x16xf32, #tpu.memory_space<vmem>>) dst(%dma_wait3A_103 : memref<1664x16xf32, #tpu.memory_space<hbm>>)
      tpu.yield
    }) : () -> ()
    %add3A_23 = arith.constant 3328 : i32
    %add3A_24 = arith.addi %mul3A_2, %add3A_23 : i32
    "tpu.region"() ({
      %run_scoped3A = tpu.sem_alloc : memref<!tpu.dma_semaphore, #tpu.memory_space<semaphore_mem>>
      %dma_start3A_96 = tpu.memref_slice %arg2[%add3A_24] : memref<425984xi32, #tpu.memory_space<hbm>> -> memref<1664xi32, #tpu.memory_space<hbm>>
      %dma_start3A_97 = tpu.memref_slice %arg2[%add3A_24] : memref<425984xi32, #tpu.memory_space<hbm>> -> memref<1664xi32, #tpu.memory_space<hbm>>
      tpu.enqueue_dma source(%dma_start3A_97 : memref<1664xi32, #tpu.memory_space<hbm>>) target(%arg7 : memref<1664xi32, #tpu.memory_space<vmem>>) target_semaphore(%run_scoped3A : memref<!tpu.dma_semaphore, #tpu.memory_space<semaphore_mem>>)
      %dma_wait3A_98 = tpu.memref_slice %arg2[%add3A_24] : memref<425984xi32, #tpu.memory_space<hbm>> -> memref<1664xi32, #tpu.memory_space<hbm>>
      %dma_wait3A_99 = tpu.memref_slice %arg2[%add3A_24] : memref<425984xi32, #tpu.memory_space<hbm>> -> memref<1664xi32, #tpu.memory_space<hbm>>
      tpu.wait_dma2 semaphore(%run_scoped3A : memref<!tpu.dma_semaphore, #tpu.memory_space<semaphore_mem>>) src(%dma_wait3A_99 : memref<1664xi32, #tpu.memory_space<hbm>>) dst(%arg7 : memref<1664xi32, #tpu.memory_space<vmem>>)
      tpu.yield
    }) : () -> ()
    %dma_start3A_25 = arith.constant 0 : i32
    %dma_start3A_26 = arith.constant 0 : i32
    %dma_start3A_27 = tpu.memref_slice %arg3[%dma_start3A_25, %dma_start3A_26] : memref<2600000x16xf32, #tpu.memory_space<hbm>> -> memref<2600000x16xf32, #tpu.memory_space<hbm>>
    tpu.enqueue_indirect_dma source(%dma_start3A_27 : memref<2600000x16xf32, #tpu.memory_space<hbm>>) target(%arg8 : memref<1664x16xf32, #tpu.memory_space<vmem>>) offsets(%arg7 : memref<1664xi32, #tpu.memory_space<vmem>>) semaphore(%arg12 : memref<!tpu.dma_semaphore, #tpu.memory_space<semaphore_mem>>)
    %dma_wait3A_28 = arith.constant 0 : i32
    %dma_wait3A_29 = arith.constant 0 : i32
    %dma_wait3A_30 = tpu.memref_slice %arg3[%dma_wait3A_28, %dma_wait3A_29] : memref<2600000x16xf32, #tpu.memory_space<hbm>> -> memref<2600000x16xf32, #tpu.memory_space<hbm>>
    tpu.wait_indirect_dma semaphore(%arg12 : memref<!tpu.dma_semaphore, #tpu.memory_space<semaphore_mem>>) src(%dma_wait3A_30 : memref<2600000x16xf32, #tpu.memory_space<hbm>>) dst(%arg8 : memref<1664x16xf32, #tpu.memory_space<vmem>>)
    %add3A_31 = arith.constant 3328 : i32
    %add3A_32 = arith.addi %mul3A_2, %add3A_31 : i32
    "tpu.region"() ({
      %run_scoped3A = tpu.sem_alloc : memref<!tpu.dma_semaphore, #tpu.memory_space<semaphore_mem>>
      %dma_start3A_96 = arith.constant 0 : i32
      %dma_start3A_97 = tpu.memref_slice %arg5[%add3A_32, %dma_start3A_96] : memref<425984x16xf32, #tpu.memory_space<hbm>> -> memref<1664x16xf32, #tpu.memory_space<hbm>>
      %dma_start3A_98 = arith.constant 0 : i32
      %dma_start3A_99 = tpu.memref_slice %arg5[%add3A_32, %dma_start3A_98] : memref<425984x16xf32, #tpu.memory_space<hbm>> -> memref<1664x16xf32, #tpu.memory_space<hbm>>
      tpu.enqueue_dma source(%arg8 : memref<1664x16xf32, #tpu.memory_space<vmem>>) target(%dma_start3A_99 : memref<1664x16xf32, #tpu.memory_space<hbm>>) target_semaphore(%run_scoped3A : memref<!tpu.dma_semaphore, #tpu.memory_space<semaphore_mem>>)
      %dma_wait3A_100 = arith.constant 0 : i32
      %dma_wait3A_101 = tpu.memref_slice %arg5[%add3A_32, %dma_wait3A_100] : memref<425984x16xf32, #tpu.memory_space<hbm>> -> memref<1664x16xf32, #tpu.memory_space<hbm>>
      %dma_wait3A_102 = arith.constant 0 : i32
      %dma_wait3A_103 = tpu.memref_slice %arg5[%add3A_32, %dma_wait3A_102] : memref<425984x16xf32, #tpu.memory_space<hbm>> -> memref<1664x16xf32, #tpu.memory_space<hbm>>
      tpu.wait_dma2 semaphore(%run_scoped3A : memref<!tpu.dma_semaphore, #tpu.memory_space<semaphore_mem>>) src(%arg8 : memref<1664x16xf32, #tpu.memory_space<vmem>>) dst(%dma_wait3A_103 : memref<1664x16xf32, #tpu.memory_space<hbm>>)
      tpu.yield
    }) : () -> ()
    %add3A_33 = arith.constant 4992 : i32
    %add3A_34 = arith.addi %mul3A_2, %add3A_33 : i32
    "tpu.region"() ({
      %run_scoped3A = tpu.sem_alloc : memref<!tpu.dma_semaphore, #tpu.memory_space<semaphore_mem>>
      %dma_start3A_96 = tpu.memref_slice %arg2[%add3A_34] : memref<425984xi32, #tpu.memory_space<hbm>> -> memref<1664xi32, #tpu.memory_space<hbm>>
      %dma_start3A_97 = tpu.memref_slice %arg2[%add3A_34] : memref<425984xi32, #tpu.memory_space<hbm>> -> memref<1664xi32, #tpu.memory_space<hbm>>
      tpu.enqueue_dma source(%dma_start3A_97 : memref<1664xi32, #tpu.memory_space<hbm>>) target(%arg7 : memref<1664xi32, #tpu.memory_space<vmem>>) target_semaphore(%run_scoped3A : memref<!tpu.dma_semaphore, #tpu.memory_space<semaphore_mem>>)
      %dma_wait3A_98 = tpu.memref_slice %arg2[%add3A_34] : memref<425984xi32, #tpu.memory_space<hbm>> -> memref<1664xi32, #tpu.memory_space<hbm>>
      %dma_wait3A_99 = tpu.memref_slice %arg2[%add3A_34] : memref<425984xi32, #tpu.memory_space<hbm>> -> memref<1664xi32, #tpu.memory_space<hbm>>
      tpu.wait_dma2 semaphore(%run_scoped3A : memref<!tpu.dma_semaphore, #tpu.memory_space<semaphore_mem>>) src(%dma_wait3A_99 : memref<1664xi32, #tpu.memory_space<hbm>>) dst(%arg7 : memref<1664xi32, #tpu.memory_space<vmem>>)
      tpu.yield
    }) : () -> ()
    %dma_start3A_35 = arith.constant 0 : i32
    %dma_start3A_36 = arith.constant 0 : i32
    %dma_start3A_37 = tpu.memref_slice %arg3[%dma_start3A_35, %dma_start3A_36] : memref<2600000x16xf32, #tpu.memory_space<hbm>> -> memref<2600000x16xf32, #tpu.memory_space<hbm>>
    tpu.enqueue_indirect_dma source(%dma_start3A_37 : memref<2600000x16xf32, #tpu.memory_space<hbm>>) target(%arg8 : memref<1664x16xf32, #tpu.memory_space<vmem>>) offsets(%arg7 : memref<1664xi32, #tpu.memory_space<vmem>>) semaphore(%arg12 : memref<!tpu.dma_semaphore, #tpu.memory_space<semaphore_mem>>)
    %dma_wait3A_38 = arith.constant 0 : i32
    %dma_wait3A_39 = arith.constant 0 : i32
    %dma_wait3A_40 = tpu.memref_slice %arg3[%dma_wait3A_38, %dma_wait3A_39] : memref<2600000x16xf32, #tpu.memory_space<hbm>> -> memref<2600000x16xf32, #tpu.memory_space<hbm>>
    tpu.wait_indirect_dma semaphore(%arg12 : memref<!tpu.dma_semaphore, #tpu.memory_space<semaphore_mem>>) src(%dma_wait3A_40 : memref<2600000x16xf32, #tpu.memory_space<hbm>>) dst(%arg8 : memref<1664x16xf32, #tpu.memory_space<vmem>>)
    %add3A_41 = arith.constant 4992 : i32
    %add3A_42 = arith.addi %mul3A_2, %add3A_41 : i32
    "tpu.region"() ({
      %run_scoped3A = tpu.sem_alloc : memref<!tpu.dma_semaphore, #tpu.memory_space<semaphore_mem>>
      %dma_start3A_96 = arith.constant 0 : i32
      %dma_start3A_97 = tpu.memref_slice %arg5[%add3A_42, %dma_start3A_96] : memref<425984x16xf32, #tpu.memory_space<hbm>> -> memref<1664x16xf32, #tpu.memory_space<hbm>>
      %dma_start3A_98 = arith.constant 0 : i32
      %dma_start3A_99 = tpu.memref_slice %arg5[%add3A_42, %dma_start3A_98] : memref<425984x16xf32, #tpu.memory_space<hbm>> -> memref<1664x16xf32, #tpu.memory_space<hbm>>
      tpu.enqueue_dma source(%arg8 : memref<1664x16xf32, #tpu.memory_space<vmem>>) target(%dma_start3A_99 : memref<1664x16xf32, #tpu.memory_space<hbm>>) target_semaphore(%run_scoped3A : memref<!tpu.dma_semaphore, #tpu.memory_space<semaphore_mem>>)
      %dma_wait3A_100 = arith.constant 0 : i32
      %dma_wait3A_101 = tpu.memref_slice %arg5[%add3A_42, %dma_wait3A_100] : memref<425984x16xf32, #tpu.memory_space<hbm>> -> memref<1664x16xf32, #tpu.memory_space<hbm>>
      %dma_wait3A_102 = arith.constant 0 : i32
      %dma_wait3A_103 = tpu.memref_slice %arg5[%add3A_42, %dma_wait3A_102] : memref<425984x16xf32, #tpu.memory_space<hbm>> -> memref<1664x16xf32, #tpu.memory_space<hbm>>
      tpu.wait_dma2 semaphore(%run_scoped3A : memref<!tpu.dma_semaphore, #tpu.memory_space<semaphore_mem>>) src(%arg8 : memref<1664x16xf32, #tpu.memory_space<vmem>>) dst(%dma_wait3A_103 : memref<1664x16xf32, #tpu.memory_space<hbm>>)
      tpu.yield
    }) : () -> ()
    %add3A_43 = arith.constant 6656 : i32
    %add3A_44 = arith.addi %mul3A_2, %add3A_43 : i32
    "tpu.region"() ({
      %run_scoped3A = tpu.sem_alloc : memref<!tpu.dma_semaphore, #tpu.memory_space<semaphore_mem>>
      %dma_start3A_96 = tpu.memref_slice %arg2[%add3A_44] : memref<425984xi32, #tpu.memory_space<hbm>> -> memref<1664xi32, #tpu.memory_space<hbm>>
      %dma_start3A_97 = tpu.memref_slice %arg2[%add3A_44] : memref<425984xi32, #tpu.memory_space<hbm>> -> memref<1664xi32, #tpu.memory_space<hbm>>
      tpu.enqueue_dma source(%dma_start3A_97 : memref<1664xi32, #tpu.memory_space<hbm>>) target(%arg7 : memref<1664xi32, #tpu.memory_space<vmem>>) target_semaphore(%run_scoped3A : memref<!tpu.dma_semaphore, #tpu.memory_space<semaphore_mem>>)
      %dma_wait3A_98 = tpu.memref_slice %arg2[%add3A_44] : memref<425984xi32, #tpu.memory_space<hbm>> -> memref<1664xi32, #tpu.memory_space<hbm>>
      %dma_wait3A_99 = tpu.memref_slice %arg2[%add3A_44] : memref<425984xi32, #tpu.memory_space<hbm>> -> memref<1664xi32, #tpu.memory_space<hbm>>
      tpu.wait_dma2 semaphore(%run_scoped3A : memref<!tpu.dma_semaphore, #tpu.memory_space<semaphore_mem>>) src(%dma_wait3A_99 : memref<1664xi32, #tpu.memory_space<hbm>>) dst(%arg7 : memref<1664xi32, #tpu.memory_space<vmem>>)
      tpu.yield
    }) : () -> ()
    %dma_start3A_45 = arith.constant 0 : i32
    %dma_start3A_46 = arith.constant 0 : i32
    %dma_start3A_47 = tpu.memref_slice %arg3[%dma_start3A_45, %dma_start3A_46] : memref<2600000x16xf32, #tpu.memory_space<hbm>> -> memref<2600000x16xf32, #tpu.memory_space<hbm>>
    tpu.enqueue_indirect_dma source(%dma_start3A_47 : memref<2600000x16xf32, #tpu.memory_space<hbm>>) target(%arg8 : memref<1664x16xf32, #tpu.memory_space<vmem>>) offsets(%arg7 : memref<1664xi32, #tpu.memory_space<vmem>>) semaphore(%arg12 : memref<!tpu.dma_semaphore, #tpu.memory_space<semaphore_mem>>)
    %dma_wait3A_48 = arith.constant 0 : i32
    %dma_wait3A_49 = arith.constant 0 : i32
    %dma_wait3A_50 = tpu.memref_slice %arg3[%dma_wait3A_48, %dma_wait3A_49] : memref<2600000x16xf32, #tpu.memory_space<hbm>> -> memref<2600000x16xf32, #tpu.memory_space<hbm>>
    tpu.wait_indirect_dma semaphore(%arg12 : memref<!tpu.dma_semaphore, #tpu.memory_space<semaphore_mem>>) src(%dma_wait3A_50 : memref<2600000x16xf32, #tpu.memory_space<hbm>>) dst(%arg8 : memref<1664x16xf32, #tpu.memory_space<vmem>>)
    %add3A_51 = arith.constant 6656 : i32
    %add3A_52 = arith.addi %mul3A_2, %add3A_51 : i32
    "tpu.region"() ({
      %run_scoped3A = tpu.sem_alloc : memref<!tpu.dma_semaphore, #tpu.memory_space<semaphore_mem>>
      %dma_start3A_96 = arith.constant 0 : i32
      %dma_start3A_97 = tpu.memref_slice %arg5[%add3A_52, %dma_start3A_96] : memref<425984x16xf32, #tpu.memory_space<hbm>> -> memref<1664x16xf32, #tpu.memory_space<hbm>>
      %dma_start3A_98 = arith.constant 0 : i32
      %dma_start3A_99 = tpu.memref_slice %arg5[%add3A_52, %dma_start3A_98] : memref<425984x16xf32, #tpu.memory_space<hbm>> -> memref<1664x16xf32, #tpu.memory_space<hbm>>
      tpu.enqueue_dma source(%arg8 : memref<1664x16xf32, #tpu.memory_space<vmem>>) target(%dma_start3A_99 : memref<1664x16xf32, #tpu.memory_space<hbm>>) target_semaphore(%run_scoped3A : memref<!tpu.dma_semaphore, #tpu.memory_space<semaphore_mem>>)
      %dma_wait3A_100 = arith.constant 0 : i32
      %dma_wait3A_101 = tpu.memref_slice %arg5[%add3A_52, %dma_wait3A_100] : memref<425984x16xf32, #tpu.memory_space<hbm>> -> memref<1664x16xf32, #tpu.memory_space<hbm>>
      %dma_wait3A_102 = arith.constant 0 : i32
      %dma_wait3A_103 = tpu.memref_slice %arg5[%add3A_52, %dma_wait3A_102] : memref<425984x16xf32, #tpu.memory_space<hbm>> -> memref<1664x16xf32, #tpu.memory_space<hbm>>
      tpu.wait_dma2 semaphore(%run_scoped3A : memref<!tpu.dma_semaphore, #tpu.memory_space<semaphore_mem>>) src(%arg8 : memref<1664x16xf32, #tpu.memory_space<vmem>>) dst(%dma_wait3A_103 : memref<1664x16xf32, #tpu.memory_space<hbm>>)
      tpu.yield
    }) : () -> ()
    %add3A_53 = arith.constant 8320 : i32
    %add3A_54 = arith.addi %mul3A_2, %add3A_53 : i32
    "tpu.region"() ({
      %run_scoped3A = tpu.sem_alloc : memref<!tpu.dma_semaphore, #tpu.memory_space<semaphore_mem>>
      %dma_start3A_96 = tpu.memref_slice %arg2[%add3A_54] : memref<425984xi32, #tpu.memory_space<hbm>> -> memref<1664xi32, #tpu.memory_space<hbm>>
      %dma_start3A_97 = tpu.memref_slice %arg2[%add3A_54] : memref<425984xi32, #tpu.memory_space<hbm>> -> memref<1664xi32, #tpu.memory_space<hbm>>
      tpu.enqueue_dma source(%dma_start3A_97 : memref<1664xi32, #tpu.memory_space<hbm>>) target(%arg7 : memref<1664xi32, #tpu.memory_space<vmem>>) target_semaphore(%run_scoped3A : memref<!tpu.dma_semaphore, #tpu.memory_space<semaphore_mem>>)
      %dma_wait3A_98 = tpu.memref_slice %arg2[%add3A_54] : memref<425984xi32, #tpu.memory_space<hbm>> -> memref<1664xi32, #tpu.memory_space<hbm>>
      %dma_wait3A_99 = tpu.memref_slice %arg2[%add3A_54] : memref<425984xi32, #tpu.memory_space<hbm>> -> memref<1664xi32, #tpu.memory_space<hbm>>
      tpu.wait_dma2 semaphore(%run_scoped3A : memref<!tpu.dma_semaphore, #tpu.memory_space<semaphore_mem>>) src(%dma_wait3A_99 : memref<1664xi32, #tpu.memory_space<hbm>>) dst(%arg7 : memref<1664xi32, #tpu.memory_space<vmem>>)
      tpu.yield
    }) : () -> ()
    %dma_start3A_55 = arith.constant 0 : i32
    %dma_start3A_56 = arith.constant 0 : i32
    %dma_start3A_57 = tpu.memref_slice %arg3[%dma_start3A_55, %dma_start3A_56] : memref<2600000x16xf32, #tpu.memory_space<hbm>> -> memref<2600000x16xf32, #tpu.memory_space<hbm>>
    tpu.enqueue_indirect_dma source(%dma_start3A_57 : memref<2600000x16xf32, #tpu.memory_space<hbm>>) target(%arg8 : memref<1664x16xf32, #tpu.memory_space<vmem>>) offsets(%arg7 : memref<1664xi32, #tpu.memory_space<vmem>>) semaphore(%arg12 : memref<!tpu.dma_semaphore, #tpu.memory_space<semaphore_mem>>)
    %dma_wait3A_58 = arith.constant 0 : i32
    %dma_wait3A_59 = arith.constant 0 : i32
    %dma_wait3A_60 = tpu.memref_slice %arg3[%dma_wait3A_58, %dma_wait3A_59] : memref<2600000x16xf32, #tpu.memory_space<hbm>> -> memref<2600000x16xf32, #tpu.memory_space<hbm>>
    tpu.wait_indirect_dma semaphore(%arg12 : memref<!tpu.dma_semaphore, #tpu.memory_space<semaphore_mem>>) src(%dma_wait3A_60 : memref<2600000x16xf32, #tpu.memory_space<hbm>>) dst(%arg8 : memref<1664x16xf32, #tpu.memory_space<vmem>>)
    %add3A_61 = arith.constant 8320 : i32
    %add3A_62 = arith.addi %mul3A_2, %add3A_61 : i32
    "tpu.region"() ({
      %run_scoped3A = tpu.sem_alloc : memref<!tpu.dma_semaphore, #tpu.memory_space<semaphore_mem>>
      %dma_start3A_96 = arith.constant 0 : i32
      %dma_start3A_97 = tpu.memref_slice %arg5[%add3A_62, %dma_start3A_96] : memref<425984x16xf32, #tpu.memory_space<hbm>> -> memref<1664x16xf32, #tpu.memory_space<hbm>>
      %dma_start3A_98 = arith.constant 0 : i32
      %dma_start3A_99 = tpu.memref_slice %arg5[%add3A_62, %dma_start3A_98] : memref<425984x16xf32, #tpu.memory_space<hbm>> -> memref<1664x16xf32, #tpu.memory_space<hbm>>
      tpu.enqueue_dma source(%arg8 : memref<1664x16xf32, #tpu.memory_space<vmem>>) target(%dma_start3A_99 : memref<1664x16xf32, #tpu.memory_space<hbm>>) target_semaphore(%run_scoped3A : memref<!tpu.dma_semaphore, #tpu.memory_space<semaphore_mem>>)
      %dma_wait3A_100 = arith.constant 0 : i32
      %dma_wait3A_101 = tpu.memref_slice %arg5[%add3A_62, %dma_wait3A_100] : memref<425984x16xf32, #tpu.memory_space<hbm>> -> memref<1664x16xf32, #tpu.memory_space<hbm>>
      %dma_wait3A_102 = arith.constant 0 : i32
      %dma_wait3A_103 = tpu.memref_slice %arg5[%add3A_62, %dma_wait3A_102] : memref<425984x16xf32, #tpu.memory_space<hbm>> -> memref<1664x16xf32, #tpu.memory_space<hbm>>
      tpu.wait_dma2 semaphore(%run_scoped3A : memref<!tpu.dma_semaphore, #tpu.memory_space<semaphore_mem>>) src(%arg8 : memref<1664x16xf32, #tpu.memory_space<vmem>>) dst(%dma_wait3A_103 : memref<1664x16xf32, #tpu.memory_space<hbm>>)
      tpu.yield
    }) : () -> ()
    %add3A_63 = arith.constant 9984 : i32
    %add3A_64 = arith.addi %mul3A_2, %add3A_63 : i32
    "tpu.region"() ({
      %run_scoped3A = tpu.sem_alloc : memref<!tpu.dma_semaphore, #tpu.memory_space<semaphore_mem>>
      %dma_start3A_96 = tpu.memref_slice %arg2[%add3A_64] : memref<425984xi32, #tpu.memory_space<hbm>> -> memref<1664xi32, #tpu.memory_space<hbm>>
      %dma_start3A_97 = tpu.memref_slice %arg2[%add3A_64] : memref<425984xi32, #tpu.memory_space<hbm>> -> memref<1664xi32, #tpu.memory_space<hbm>>
      tpu.enqueue_dma source(%dma_start3A_97 : memref<1664xi32, #tpu.memory_space<hbm>>) target(%arg7 : memref<1664xi32, #tpu.memory_space<vmem>>) target_semaphore(%run_scoped3A : memref<!tpu.dma_semaphore, #tpu.memory_space<semaphore_mem>>)
      %dma_wait3A_98 = tpu.memref_slice %arg2[%add3A_64] : memref<425984xi32, #tpu.memory_space<hbm>> -> memref<1664xi32, #tpu.memory_space<hbm>>
      %dma_wait3A_99 = tpu.memref_slice %arg2[%add3A_64] : memref<425984xi32, #tpu.memory_space<hbm>> -> memref<1664xi32, #tpu.memory_space<hbm>>
      tpu.wait_dma2 semaphore(%run_scoped3A : memref<!tpu.dma_semaphore, #tpu.memory_space<semaphore_mem>>) src(%dma_wait3A_99 : memref<1664xi32, #tpu.memory_space<hbm>>) dst(%arg7 : memref<1664xi32, #tpu.memory_space<vmem>>)
      tpu.yield
    }) : () -> ()
    %dma_start3A_65 = arith.constant 0 : i32
    %dma_start3A_66 = arith.constant 0 : i32
    %dma_start3A_67 = tpu.memref_slice %arg3[%dma_start3A_65, %dma_start3A_66] : memref<2600000x16xf32, #tpu.memory_space<hbm>> -> memref<2600000x16xf32, #tpu.memory_space<hbm>>
    tpu.enqueue_indirect_dma source(%dma_start3A_67 : memref<2600000x16xf32, #tpu.memory_space<hbm>>) target(%arg8 : memref<1664x16xf32, #tpu.memory_space<vmem>>) offsets(%arg7 : memref<1664xi32, #tpu.memory_space<vmem>>) semaphore(%arg12 : memref<!tpu.dma_semaphore, #tpu.memory_space<semaphore_mem>>)
    %dma_wait3A_68 = arith.constant 0 : i32
    %dma_wait3A_69 = arith.constant 0 : i32
    %dma_wait3A_70 = tpu.memref_slice %arg3[%dma_wait3A_68, %dma_wait3A_69] : memref<2600000x16xf32, #tpu.memory_space<hbm>> -> memref<2600000x16xf32, #tpu.memory_space<hbm>>
    tpu.wait_indirect_dma semaphore(%arg12 : memref<!tpu.dma_semaphore, #tpu.memory_space<semaphore_mem>>) src(%dma_wait3A_70 : memref<2600000x16xf32, #tpu.memory_space<hbm>>) dst(%arg8 : memref<1664x16xf32, #tpu.memory_space<vmem>>)
    %add3A_71 = arith.constant 9984 : i32
    %add3A_72 = arith.addi %mul3A_2, %add3A_71 : i32
    "tpu.region"() ({
      %run_scoped3A = tpu.sem_alloc : memref<!tpu.dma_semaphore, #tpu.memory_space<semaphore_mem>>
      %dma_start3A_96 = arith.constant 0 : i32
      %dma_start3A_97 = tpu.memref_slice %arg5[%add3A_72, %dma_start3A_96] : memref<425984x16xf32, #tpu.memory_space<hbm>> -> memref<1664x16xf32, #tpu.memory_space<hbm>>
      %dma_start3A_98 = arith.constant 0 : i32
      %dma_start3A_99 = tpu.memref_slice %arg5[%add3A_72, %dma_start3A_98] : memref<425984x16xf32, #tpu.memory_space<hbm>> -> memref<1664x16xf32, #tpu.memory_space<hbm>>
      tpu.enqueue_dma source(%arg8 : memref<1664x16xf32, #tpu.memory_space<vmem>>) target(%dma_start3A_99 : memref<1664x16xf32, #tpu.memory_space<hbm>>) target_semaphore(%run_scoped3A : memref<!tpu.dma_semaphore, #tpu.memory_space<semaphore_mem>>)
      %dma_wait3A_100 = arith.constant 0 : i32
      %dma_wait3A_101 = tpu.memref_slice %arg5[%add3A_72, %dma_wait3A_100] : memref<425984x16xf32, #tpu.memory_space<hbm>> -> memref<1664x16xf32, #tpu.memory_space<hbm>>
      %dma_wait3A_102 = arith.constant 0 : i32
      %dma_wait3A_103 = tpu.memref_slice %arg5[%add3A_72, %dma_wait3A_102] : memref<425984x16xf32, #tpu.memory_space<hbm>> -> memref<1664x16xf32, #tpu.memory_space<hbm>>
      tpu.wait_dma2 semaphore(%run_scoped3A : memref<!tpu.dma_semaphore, #tpu.memory_space<semaphore_mem>>) src(%arg8 : memref<1664x16xf32, #tpu.memory_space<vmem>>) dst(%dma_wait3A_103 : memref<1664x16xf32, #tpu.memory_space<hbm>>)
      tpu.yield
    }) : () -> ()
    %add3A_73 = arith.constant 11648 : i32
    %add3A_74 = arith.addi %mul3A_2, %add3A_73 : i32
    "tpu.region"() ({
      %run_scoped3A = tpu.sem_alloc : memref<!tpu.dma_semaphore, #tpu.memory_space<semaphore_mem>>
      %dma_start3A_96 = tpu.memref_slice %arg2[%add3A_74] : memref<425984xi32, #tpu.memory_space<hbm>> -> memref<1664xi32, #tpu.memory_space<hbm>>
      %dma_start3A_97 = tpu.memref_slice %arg2[%add3A_74] : memref<425984xi32, #tpu.memory_space<hbm>> -> memref<1664xi32, #tpu.memory_space<hbm>>
      tpu.enqueue_dma source(%dma_start3A_97 : memref<1664xi32, #tpu.memory_space<hbm>>) target(%arg7 : memref<1664xi32, #tpu.memory_space<vmem>>) target_semaphore(%run_scoped3A : memref<!tpu.dma_semaphore, #tpu.memory_space<semaphore_mem>>)
      %dma_wait3A_98 = tpu.memref_slice %arg2[%add3A_74] : memref<425984xi32, #tpu.memory_space<hbm>> -> memref<1664xi32, #tpu.memory_space<hbm>>
      %dma_wait3A_99 = tpu.memref_slice %arg2[%add3A_74] : memref<425984xi32, #tpu.memory_space<hbm>> -> memref<1664xi32, #tpu.memory_space<hbm>>
      tpu.wait_dma2 semaphore(%run_scoped3A : memref<!tpu.dma_semaphore, #tpu.memory_space<semaphore_mem>>) src(%dma_wait3A_99 : memref<1664xi32, #tpu.memory_space<hbm>>) dst(%arg7 : memref<1664xi32, #tpu.memory_space<vmem>>)
      tpu.yield
    }) : () -> ()
    %dma_start3A_75 = arith.constant 0 : i32
    %dma_start3A_76 = arith.constant 0 : i32
    %dma_start3A_77 = tpu.memref_slice %arg3[%dma_start3A_75, %dma_start3A_76] : memref<2600000x16xf32, #tpu.memory_space<hbm>> -> memref<2600000x16xf32, #tpu.memory_space<hbm>>
    tpu.enqueue_indirect_dma source(%dma_start3A_77 : memref<2600000x16xf32, #tpu.memory_space<hbm>>) target(%arg8 : memref<1664x16xf32, #tpu.memory_space<vmem>>) offsets(%arg7 : memref<1664xi32, #tpu.memory_space<vmem>>) semaphore(%arg12 : memref<!tpu.dma_semaphore, #tpu.memory_space<semaphore_mem>>)
    %dma_wait3A_78 = arith.constant 0 : i32
    %dma_wait3A_79 = arith.constant 0 : i32
    %dma_wait3A_80 = tpu.memref_slice %arg3[%dma_wait3A_78, %dma_wait3A_79] : memref<2600000x16xf32, #tpu.memory_space<hbm>> -> memref<2600000x16xf32, #tpu.memory_space<hbm>>
    tpu.wait_indirect_dma semaphore(%arg12 : memref<!tpu.dma_semaphore, #tpu.memory_space<semaphore_mem>>) src(%dma_wait3A_80 : memref<2600000x16xf32, #tpu.memory_space<hbm>>) dst(%arg8 : memref<1664x16xf32, #tpu.memory_space<vmem>>)
    %add3A_81 = arith.constant 11648 : i32
    %add3A_82 = arith.addi %mul3A_2, %add3A_81 : i32
    "tpu.region"() ({
      %run_scoped3A = tpu.sem_alloc : memref<!tpu.dma_semaphore, #tpu.memory_space<semaphore_mem>>
      %dma_start3A_96 = arith.constant 0 : i32
      %dma_start3A_97 = tpu.memref_slice %arg5[%add3A_82, %dma_start3A_96] : memref<425984x16xf32, #tpu.memory_space<hbm>> -> memref<1664x16xf32, #tpu.memory_space<hbm>>
      %dma_start3A_98 = arith.constant 0 : i32
      %dma_start3A_99 = tpu.memref_slice %arg5[%add3A_82, %dma_start3A_98] : memref<425984x16xf32, #tpu.memory_space<hbm>> -> memref<1664x16xf32, #tpu.memory_space<hbm>>
      tpu.enqueue_dma source(%arg8 : memref<1664x16xf32, #tpu.memory_space<vmem>>) target(%dma_start3A_99 : memref<1664x16xf32, #tpu.memory_space<hbm>>) target_semaphore(%run_scoped3A : memref<!tpu.dma_semaphore, #tpu.memory_space<semaphore_mem>>)
      %dma_wait3A_100 = arith.constant 0 : i32
      %dma_wait3A_101 = tpu.memref_slice %arg5[%add3A_82, %dma_wait3A_100] : memref<425984x16xf32, #tpu.memory_space<hbm>> -> memref<1664x16xf32, #tpu.memory_space<hbm>>
      %dma_wait3A_102 = arith.constant 0 : i32
      %dma_wait3A_103 = tpu.memref_slice %arg5[%add3A_82, %dma_wait3A_102] : memref<425984x16xf32, #tpu.memory_space<hbm>> -> memref<1664x16xf32, #tpu.memory_space<hbm>>
      tpu.wait_dma2 semaphore(%run_scoped3A : memref<!tpu.dma_semaphore, #tpu.memory_space<semaphore_mem>>) src(%arg8 : memref<1664x16xf32, #tpu.memory_space<vmem>>) dst(%dma_wait3A_103 : memref<1664x16xf32, #tpu.memory_space<hbm>>)
      tpu.yield
    }) : () -> ()
    %dma_wait3A_83 = arith.constant 0 : i32
    %dma_wait3A_84 = tpu.memref_slice %arg4[%dma_wait3A_83] : memref<2600000xf32, #tpu.memory_space<hbm>> -> memref<2600000xf32, #tpu.memory_space<hbm>>
    tpu.wait_indirect_dma semaphore(%arg13 : memref<!tpu.dma_semaphore, #tpu.memory_space<semaphore_mem>>) src(%dma_wait3A_84 : memref<2600000xf32, #tpu.memory_space<hbm>>) dst(%arg10 : memref<13312xf32, #tpu.memory_space<vmem>>)
    %iota3A = tpu.iota {dimensions = array<i32: 0>} : vector<16xi32>
    %mul3A_85 = arith.constant 26 : i32
    %mul3A_86 = vector.broadcast %mul3A_85 : i32 to vector<16xi32>
    %mul3A_87 = arith.muli %iota3A, %mul3A_86 : vector<16xi32>
    %scan3A = arith.constant 0 : i32
    %scan3A_88 = arith.constant 0 : i32
    %scan3A_89 = arith.constant 32 : i32
    %scan3A_90 = arith.addi %scan3A_88, %scan3A_89 : i32
    %scan3A_91 = arith.constant 1 : i32
    %scan3A_92 = scf.for %scan3A_96 = %scan3A_88 to %scan3A_90 step %scan3A_91 iter_args(%scan3A_97 = %scan3A) -> (i32)  : i32 {
      %mul3A_98 = arith.constant 416 : i32
      %mul3A_99 = arith.muli %scan3A_96, %mul3A_98 : i32
      %add3A_100 = vector.broadcast %mul3A_99 : i32 to vector<16xi32>
      %add3A_101 = arith.addi %mul3A_87, %add3A_100 : vector<16xi32>
      %gather3A = tpu.vector_load_idx %arg10[%add3A_101] : memref<13312xf32, #tpu.memory_space<vmem>>[vector<16xi32>], vector<16xf32>,
      %add3A_102 = arith.constant 1 : i32
      %add3A_103 = arith.addi %mul3A_99, %add3A_102 : i32
      %add3A_104 = vector.broadcast %add3A_103 : i32 to vector<16xi32>
      %add3A_105 = arith.addi %mul3A_87, %add3A_104 : vector<16xi32>
      %gather3A_106 = tpu.vector_load_idx %arg10[%add3A_105] : memref<13312xf32, #tpu.memory_space<vmem>>[vector<16xi32>], vector<16xf32>,
      %add3A_107 = arith.addf %gather3A, %gather3A_106 : vector<16xf32>
      %add3A_108 = arith.constant 2 : i32
      %add3A_109 = arith.addi %mul3A_99, %add3A_108 : i32
      %add3A_110 = vector.broadcast %add3A_109 : i32 to vector<16xi32>
      %add3A_111 = arith.addi %mul3A_87, %add3A_110 : vector<16xi32>
      %gather3A_112 = tpu.vector_load_idx %arg10[%add3A_111] : memref<13312xf32, #tpu.memory_space<vmem>>[vector<16xi32>], vector<16xf32>,
      %add3A_113 = arith.addf %add3A_107, %gather3A_112 : vector<16xf32>
      %add3A_114 = arith.constant 3 : i32
      %add3A_115 = arith.addi %mul3A_99, %add3A_114 : i32
      %add3A_116 = vector.broadcast %add3A_115 : i32 to vector<16xi32>
      %add3A_117 = arith.addi %mul3A_87, %add3A_116 : vector<16xi32>
      %gather3A_118 = tpu.vector_load_idx %arg10[%add3A_117] : memref<13312xf32, #tpu.memory_space<vmem>>[vector<16xi32>], vector<16xf32>,
      %add3A_119 = arith.addf %add3A_113, %gather3A_118 : vector<16xf32>
      %add3A_120 = arith.constant 4 : i32
      %add3A_121 = arith.addi %mul3A_99, %add3A_120 : i32
      %add3A_122 = vector.broadcast %add3A_121 : i32 to vector<16xi32>
      %add3A_123 = arith.addi %mul3A_87, %add3A_122 : vector<16xi32>
      %gather3A_124 = tpu.vector_load_idx %arg10[%add3A_123] : memref<13312xf32, #tpu.memory_space<vmem>>[vector<16xi32>], vector<16xf32>,
      %add3A_125 = arith.addf %add3A_119, %gather3A_124 : vector<16xf32>
      %add3A_126 = arith.constant 5 : i32
      %add3A_127 = arith.addi %mul3A_99, %add3A_126 : i32
      %add3A_128 = vector.broadcast %add3A_127 : i32 to vector<16xi32>
      %add3A_129 = arith.addi %mul3A_87, %add3A_128 : vector<16xi32>
      %gather3A_130 = tpu.vector_load_idx %arg10[%add3A_129] : memref<13312xf32, #tpu.memory_space<vmem>>[vector<16xi32>], vector<16xf32>,
      %add3A_131 = arith.addf %add3A_125, %gather3A_130 : vector<16xf32>
      %add3A_132 = arith.constant 6 : i32
      %add3A_133 = arith.addi %mul3A_99, %add3A_132 : i32
      %add3A_134 = vector.broadcast %add3A_133 : i32 to vector<16xi32>
      %add3A_135 = arith.addi %mul3A_87, %add3A_134 : vector<16xi32>
      %gather3A_136 = tpu.vector_load_idx %arg10[%add3A_135] : memref<13312xf32, #tpu.memory_space<vmem>>[vector<16xi32>], vector<16xf32>,
      %add3A_137 = arith.addf %add3A_131, %gather3A_136 : vector<16xf32>
      %add3A_138 = arith.constant 7 : i32
      %add3A_139 = arith.addi %mul3A_99, %add3A_138 : i32
      %add3A_140 = vector.broadcast %add3A_139 : i32 to vector<16xi32>
      %add3A_141 = arith.addi %mul3A_87, %add3A_140 : vector<16xi32>
      %gather3A_142 = tpu.vector_load_idx %arg10[%add3A_141] : memref<13312xf32, #tpu.memory_space<vmem>>[vector<16xi32>], vector<16xf32>,
      %add3A_143 = arith.addf %add3A_137, %gather3A_142 : vector<16xf32>
      %add3A_144 = arith.constant 8 : i32
      %add3A_145 = arith.addi %mul3A_99, %add3A_144 : i32
      %add3A_146 = vector.broadcast %add3A_145 : i32 to vector<16xi32>
      %add3A_147 = arith.addi %mul3A_87, %add3A_146 : vector<16xi32>
      %gather3A_148 = tpu.vector_load_idx %arg10[%add3A_147] : memref<13312xf32, #tpu.memory_space<vmem>>[vector<16xi32>], vector<16xf32>,
      %add3A_149 = arith.addf %add3A_143, %gather3A_148 : vector<16xf32>
      %add3A_150 = arith.constant 9 : i32
      %add3A_151 = arith.addi %mul3A_99, %add3A_150 : i32
      %add3A_152 = vector.broadcast %add3A_151 : i32 to vector<16xi32>
      %add3A_153 = arith.addi %mul3A_87, %add3A_152 : vector<16xi32>
      %gather3A_154 = tpu.vector_load_idx %arg10[%add3A_153] : memref<13312xf32, #tpu.memory_space<vmem>>[vector<16xi32>], vector<16xf32>,
      %add3A_155 = arith.addf %add3A_149, %gather3A_154 : vector<16xf32>
      %add3A_156 = arith.constant 10 : i32
      %add3A_157 = arith.addi %mul3A_99, %add3A_156 : i32
      %add3A_158 = vector.broadcast %add3A_157 : i32 to vector<16xi32>
      %add3A_159 = arith.addi %mul3A_87, %add3A_158 : vector<16xi32>
      %gather3A_160 = tpu.vector_load_idx %arg10[%add3A_159] : memref<13312xf32, #tpu.memory_space<vmem>>[vector<16xi32>], vector<16xf32>,
      %add3A_161 = arith.addf %add3A_155, %gather3A_160 : vector<16xf32>
      %add3A_162 = arith.constant 11 : i32
      %add3A_163 = arith.addi %mul3A_99, %add3A_162 : i32
      %add3A_164 = vector.broadcast %add3A_163 : i32 to vector<16xi32>
      %add3A_165 = arith.addi %mul3A_87, %add3A_164 : vector<16xi32>
      %gather3A_166 = tpu.vector_load_idx %arg10[%add3A_165] : memref<13312xf32, #tpu.memory_space<vmem>>[vector<16xi32>], vector<16xf32>,
      %add3A_167 = arith.addf %add3A_161, %gather3A_166 : vector<16xf32>
      %add3A_168 = arith.constant 12 : i32
      %add3A_169 = arith.addi %mul3A_99, %add3A_168 : i32
      %add3A_170 = vector.broadcast %add3A_169 : i32 to vector<16xi32>
      %add3A_171 = arith.addi %mul3A_87, %add3A_170 : vector<16xi32>
      %gather3A_172 = tpu.vector_load_idx %arg10[%add3A_171] : memref<13312xf32, #tpu.memory_space<vmem>>[vector<16xi32>], vector<16xf32>,
      %add3A_173 = arith.addf %add3A_167, %gather3A_172 : vector<16xf32>
      %add3A_174 = arith.constant 13 : i32
      %add3A_175 = arith.addi %mul3A_99, %add3A_174 : i32
      %add3A_176 = vector.broadcast %add3A_175 : i32 to vector<16xi32>
      %add3A_177 = arith.addi %mul3A_87, %add3A_176 : vector<16xi32>
      %gather3A_178 = tpu.vector_load_idx %arg10[%add3A_177] : memref<13312xf32, #tpu.memory_space<vmem>>[vector<16xi32>], vector<16xf32>,
      %add3A_179 = arith.addf %add3A_173, %gather3A_178 : vector<16xf32>
      %add3A_180 = arith.constant 14 : i32
      %add3A_181 = arith.addi %mul3A_99, %add3A_180 : i32
      %add3A_182 = vector.broadcast %add3A_181 : i32 to vector<16xi32>
      %add3A_183 = arith.addi %mul3A_87, %add3A_182 : vector<16xi32>
      %gather3A_184 = tpu.vector_load_idx %arg10[%add3A_183] : memref<13312xf32, #tpu.memory_space<vmem>>[vector<16xi32>], vector<16xf32>,
      %add3A_185 = arith.addf %add3A_179, %gather3A_184 : vector<16xf32>
      %add3A_186 = arith.constant 15 : i32
      %add3A_187 = arith.addi %mul3A_99, %add3A_186 : i32
      %add3A_188 = vector.broadcast %add3A_187 : i32 to vector<16xi32>
      %add3A_189 = arith.addi %mul3A_87, %add3A_188 : vector<16xi32>
      %gather3A_190 = tpu.vector_load_idx %arg10[%add3A_189] : memref<13312xf32, #tpu.memory_space<vmem>>[vector<16xi32>], vector<16xf32>,
      %add3A_191 = arith.addf %add3A_185, %gather3A_190 : vector<16xf32>
      %add3A_192 = arith.constant 16 : i32
      %add3A_193 = arith.addi %mul3A_99, %add3A_192 : i32
      %add3A_194 = vector.broadcast %add3A_193 : i32 to vector<16xi32>
      %add3A_195 = arith.addi %mul3A_87, %add3A_194 : vector<16xi32>
      %gather3A_196 = tpu.vector_load_idx %arg10[%add3A_195] : memref<13312xf32, #tpu.memory_space<vmem>>[vector<16xi32>], vector<16xf32>,
      %add3A_197 = arith.addf %add3A_191, %gather3A_196 : vector<16xf32>
      %add3A_198 = arith.constant 17 : i32
      %add3A_199 = arith.addi %mul3A_99, %add3A_198 : i32
      %add3A_200 = vector.broadcast %add3A_199 : i32 to vector<16xi32>
      %add3A_201 = arith.addi %mul3A_87, %add3A_200 : vector<16xi32>
      %gather3A_202 = tpu.vector_load_idx %arg10[%add3A_201] : memref<13312xf32, #tpu.memory_space<vmem>>[vector<16xi32>], vector<16xf32>,
      %add3A_203 = arith.addf %add3A_197, %gather3A_202 : vector<16xf32>
      %add3A_204 = arith.constant 18 : i32
      %add3A_205 = arith.addi %mul3A_99, %add3A_204 : i32
      %add3A_206 = vector.broadcast %add3A_205 : i32 to vector<16xi32>
      %add3A_207 = arith.addi %mul3A_87, %add3A_206 : vector<16xi32>
      %gather3A_208 = tpu.vector_load_idx %arg10[%add3A_207] : memref<13312xf32, #tpu.memory_space<vmem>>[vector<16xi32>], vector<16xf32>,
      %add3A_209 = arith.addf %add3A_203, %gather3A_208 : vector<16xf32>
      %add3A_210 = arith.constant 19 : i32
      %add3A_211 = arith.addi %mul3A_99, %add3A_210 : i32
      %add3A_212 = vector.broadcast %add3A_211 : i32 to vector<16xi32>
      %add3A_213 = arith.addi %mul3A_87, %add3A_212 : vector<16xi32>
      %gather3A_214 = tpu.vector_load_idx %arg10[%add3A_213] : memref<13312xf32, #tpu.memory_space<vmem>>[vector<16xi32>], vector<16xf32>,
      %add3A_215 = arith.addf %add3A_209, %gather3A_214 : vector<16xf32>
      %add3A_216 = arith.constant 20 : i32
      %add3A_217 = arith.addi %mul3A_99, %add3A_216 : i32
      %add3A_218 = vector.broadcast %add3A_217 : i32 to vector<16xi32>
      %add3A_219 = arith.addi %mul3A_87, %add3A_218 : vector<16xi32>
      %gather3A_220 = tpu.vector_load_idx %arg10[%add3A_219] : memref<13312xf32, #tpu.memory_space<vmem>>[vector<16xi32>], vector<16xf32>,
      %add3A_221 = arith.addf %add3A_215, %gather3A_220 : vector<16xf32>
      %add3A_222 = arith.constant 21 : i32
      %add3A_223 = arith.addi %mul3A_99, %add3A_222 : i32
      %add3A_224 = vector.broadcast %add3A_223 : i32 to vector<16xi32>
      %add3A_225 = arith.addi %mul3A_87, %add3A_224 : vector<16xi32>
      %gather3A_226 = tpu.vector_load_idx %arg10[%add3A_225] : memref<13312xf32, #tpu.memory_space<vmem>>[vector<16xi32>], vector<16xf32>,
      %add3A_227 = arith.addf %add3A_221, %gather3A_226 : vector<16xf32>
      %add3A_228 = arith.constant 22 : i32
      %add3A_229 = arith.addi %mul3A_99, %add3A_228 : i32
      %add3A_230 = vector.broadcast %add3A_229 : i32 to vector<16xi32>
      %add3A_231 = arith.addi %mul3A_87, %add3A_230 : vector<16xi32>
      %gather3A_232 = tpu.vector_load_idx %arg10[%add3A_231] : memref<13312xf32, #tpu.memory_space<vmem>>[vector<16xi32>], vector<16xf32>,
      %add3A_233 = arith.addf %add3A_227, %gather3A_232 : vector<16xf32>
      %add3A_234 = arith.constant 23 : i32
      %add3A_235 = arith.addi %mul3A_99, %add3A_234 : i32
      %add3A_236 = vector.broadcast %add3A_235 : i32 to vector<16xi32>
      %add3A_237 = arith.addi %mul3A_87, %add3A_236 : vector<16xi32>
      %gather3A_238 = tpu.vector_load_idx %arg10[%add3A_237] : memref<13312xf32, #tpu.memory_space<vmem>>[vector<16xi32>], vector<16xf32>,
      %add3A_239 = arith.addf %add3A_233, %gather3A_238 : vector<16xf32>
      %add3A_240 = arith.constant 24 : i32
      %add3A_241 = arith.addi %mul3A_99, %add3A_240 : i32
      %add3A_242 = vector.broadcast %add3A_241 : i32 to vector<16xi32>
      %add3A_243 = arith.addi %mul3A_87, %add3A_242 : vector<16xi32>
      %gather3A_244 = tpu.vector_load_idx %arg10[%add3A_243] : memref<13312xf32, #tpu.memory_space<vmem>>[vector<16xi32>], vector<16xf32>,
      %add3A_245 = arith.addf %add3A_239, %gather3A_244 : vector<16xf32>
      %add3A_246 = arith.constant 25 : i32
      %add3A_247 = arith.addi %mul3A_99, %add3A_246 : i32
      %add3A_248 = vector.broadcast %add3A_247 : i32 to vector<16xi32>
      %add3A_249 = arith.addi %mul3A_87, %add3A_248 : vector<16xi32>
      %gather3A_250 = tpu.vector_load_idx %arg10[%add3A_249] : memref<13312xf32, #tpu.memory_space<vmem>>[vector<16xi32>], vector<16xf32>,
      %add3A_251 = arith.addf %add3A_245, %gather3A_250 : vector<16xf32>
      %mul3A_252 = arith.constant 16 : i32
      %mul3A_253 = arith.muli %scan3A_96, %mul3A_252 : i32
      %swap3A = arith.index_cast %mul3A_253 : i32 to index
      %swap3A_254 = tpu.vector_load %arg11[%swap3A] {strides = array<i32>} : memref<512xf32, #tpu.memory_space<vmem>>, vector<16xf32>,
      tpu.vector_store %arg11[%swap3A], %add3A_251 {strides = array<i32>} : memref<512xf32, #tpu.memory_space<vmem>>, vector<16xf32>,
      %scan3A_255 = arith.constant 0 : i32
      scf.yield %scan3A_255 : i32
    }
    %scan3A_93 = arith.constant 32 : i32
    %mul3A_94 = arith.constant 512 : i32
    %mul3A_95 = arith.muli %add3A, %mul3A_94 : i32
    "tpu.region"() ({
      %run_scoped3A = tpu.sem_alloc : memref<!tpu.dma_semaphore, #tpu.memory_space<semaphore_mem>>
      %dma_start3A_96 = tpu.memref_slice %arg6[%mul3A_95] : memref<16384xf32, #tpu.memory_space<hbm>> -> memref<512xf32, #tpu.memory_space<hbm>>
      %dma_start3A_97 = tpu.memref_slice %arg6[%mul3A_95] : memref<16384xf32, #tpu.memory_space<hbm>> -> memref<512xf32, #tpu.memory_space<hbm>>
      tpu.enqueue_dma source(%arg11 : memref<512xf32, #tpu.memory_space<vmem>>) target(%dma_start3A_97 : memref<512xf32, #tpu.memory_space<hbm>>) target_semaphore(%run_scoped3A : memref<!tpu.dma_semaphore, #tpu.memory_space<semaphore_mem>>)
      %dma_wait3A_98 = tpu.memref_slice %arg6[%mul3A_95] : memref<16384xf32, #tpu.memory_space<hbm>> -> memref<512xf32, #tpu.memory_space<hbm>>
      %dma_wait3A_99 = tpu.memref_slice %arg6[%mul3A_95] : memref<16384xf32, #tpu.memory_space<hbm>> -> memref<512xf32, #tpu.memory_space<hbm>>
      tpu.wait_dma2 semaphore(%run_scoped3A : memref<!tpu.dma_semaphore, #tpu.memory_space<semaphore_mem>>) src(%arg11 : memref<512xf32, #tpu.memory_space<vmem>>) dst(%dma_wait3A_99 : memref<512xf32, #tpu.memory_space<hbm>>)
      tpu.yield
    }) : () -> ()
    return
  }
}

module attributes {stable_mosaic.version = 14 : i64} {
  func.func @_mlp_body(%arg0: i32, %arg1: memref<1024x416xf32, #tpu.memory_space<vmem>>, %arg2: memref<1024x1xf32, #tpu.memory_space<vmem>>, %arg3: memref<416x256xf32, #tpu.memory_space<vmem>>, %arg4: memref<1x256xf32, #tpu.memory_space<vmem>>, %arg5: memref<1x256xf32, #tpu.memory_space<vmem>>, %arg6: memref<1x256xf32, #tpu.memory_space<vmem>>, %arg7: memref<256x128xf32, #tpu.memory_space<vmem>>, %arg8: memref<1x128xf32, #tpu.memory_space<vmem>>, %arg9: memref<1x128xf32, #tpu.memory_space<vmem>>, %arg10: memref<1x128xf32, #tpu.memory_space<vmem>>, %arg11: memref<1x128xf32, #tpu.memory_space<vmem>>, %arg12: memref<1x1xf32, #tpu.memory_space<vmem>>, %arg13: memref<1x1xf32, #tpu.memory_space<vmem>>, %arg14: memref<1024x1xf32, #tpu.memory_space<vmem>>) attributes {dimension_semantics = [#tpu.dimension_semantics<arbitrary>], iteration_bounds = array<i64: 16>, scalar_prefetch = 0 : i64, scratch_operands = 0 : i64, tpu.core_type = #tpu.core_type<tc>, window_params = [{transform_indices = @transform_0, window_bounds = array<i64: 1024, 416>}, {transform_indices = @transform_1, window_bounds = array<i64: 1024, 1>}, {pipeline_mode = #tpu.pipeline_mode<synchronous>, transform_indices = @transform_2, window_bounds = array<i64: 416, 256>}, {pipeline_mode = #tpu.pipeline_mode<synchronous>, transform_indices = @transform_3, window_bounds = array<i64: 1, 256>}, {pipeline_mode = #tpu.pipeline_mode<synchronous>, transform_indices = @transform_4, window_bounds = array<i64: 1, 256>}, {pipeline_mode = #tpu.pipeline_mode<synchronous>, transform_indices = @transform_5, window_bounds = array<i64: 1, 256>}, {pipeline_mode = #tpu.pipeline_mode<synchronous>, transform_indices = @transform_6, window_bounds = array<i64: 256, 128>}, {pipeline_mode = #tpu.pipeline_mode<synchronous>, transform_indices = @transform_7, window_bounds = array<i64: 1, 128>}, {pipeline_mode = #tpu.pipeline_mode<synchronous>, transform_indices = @transform_8, window_bounds = array<i64: 1, 128>}, {pipeline_mode = #tpu.pipeline_mode<synchronous>, transform_indices = @transform_9, window_bounds = array<i64: 1, 128>}, {pipeline_mode = #tpu.pipeline_mode<synchronous>, transform_indices = @transform_10, window_bounds = array<i64: 1, 128>}, {pipeline_mode = #tpu.pipeline_mode<synchronous>, transform_indices = @transform_11, window_bounds = array<i64: 1, 1>}, {pipeline_mode = #tpu.pipeline_mode<synchronous>, transform_indices = @transform_12, window_bounds = array<i64: 1, 1>}, {transform_indices = @transform_13, window_bounds = array<i64: 1024, 1>}]} {
    %get3A = arith.constant 0 : index
    %get3A_0 = arith.constant 0 : index
    %get3A_1 = vector.load %arg5[%get3A, %get3A_0] : memref<1x256xf32, #tpu.memory_space<vmem>>, vector<1x256xf32>
    %mul3A = arith.constant 0.999994993 : f32
    %mul3A_2 = vector.broadcast %mul3A : f32 to vector<1x256xf32>
    %mul3A_3 = arith.mulf %get3A_1, %mul3A_2 : vector<1x256xf32>
    %get3A_4 = arith.constant 0 : index
    %get3A_5 = arith.constant 0 : index
    %get3A_6 = vector.load %arg4[%get3A_4, %get3A_5] : memref<1x256xf32, #tpu.memory_space<vmem>>, vector<1x256xf32>
    %mul3A_7 = arith.mulf %get3A_6, %mul3A_3 : vector<1x256xf32>
    %get3A_8 = arith.constant 0 : index
    %get3A_9 = arith.constant 0 : index
    %get3A_10 = vector.load %arg6[%get3A_8, %get3A_9] : memref<1x256xf32, #tpu.memory_space<vmem>>, vector<1x256xf32>
    %add3A = arith.addf %mul3A_7, %get3A_10 : vector<1x256xf32>
    %get3A_11 = arith.constant 0 : index
    %get3A_12 = arith.constant 0 : index
    %get3A_13 = vector.load %arg1[%get3A_11, %get3A_12] : memref<1024x416xf32, #tpu.memory_space<vmem>>, vector<1024x416xf32>
    %get3A_14 = arith.constant 0 : index
    %get3A_15 = arith.constant 0 : index
    %get3A_16 = vector.load %arg3[%get3A_14, %get3A_15] : memref<416x256xf32, #tpu.memory_space<vmem>>, vector<416x256xf32>
    %dot_general3A = arith.constant dense<0.000000e+00> : vector<1024x256xf32>
    %dot_general3A_17 = tpu.matmul %get3A_13, %get3A_16, %dot_general3A {dimension_numbers = #tpu.dot_dimension_numbers<[1], [0], [0], [1], [0, 0, 1, 1], [], []>, transpose_lhs_hint = false} : vector<1024x416xf32>, vector<416x256xf32>, vector<1024x256xf32> -> vector<1024x256xf32>
    %mul3A_18 = vector.broadcast %mul3A_3 : vector<1x256xf32> to vector<1024x256xf32>
    %mul3A_19 = arith.mulf %dot_general3A_17, %mul3A_18 : vector<1024x256xf32>
    %add3A_20 = vector.broadcast %add3A : vector<1x256xf32> to vector<1024x256xf32>
    %add3A_21 = arith.addf %mul3A_19, %add3A_20 : vector<1024x256xf32>
    %max3A = arith.constant 0.000000e+00 : f32
    %max3A_22 = vector.broadcast %max3A : f32 to vector<1024x256xf32>
    %max3A_23 = arith.maximumf %add3A_21, %max3A_22 : vector<1024x256xf32>
    %get3A_24 = arith.constant 0 : index
    %get3A_25 = arith.constant 0 : index
    %get3A_26 = vector.load %arg9[%get3A_24, %get3A_25] : memref<1x128xf32, #tpu.memory_space<vmem>>, vector<1x128xf32>
    %mul3A_27 = arith.constant 0.999994993 : f32
    %mul3A_28 = vector.broadcast %mul3A_27 : f32 to vector<1x128xf32>
    %mul3A_29 = arith.mulf %get3A_26, %mul3A_28 : vector<1x128xf32>
    %get3A_30 = arith.constant 0 : index
    %get3A_31 = arith.constant 0 : index
    %get3A_32 = vector.load %arg8[%get3A_30, %get3A_31] : memref<1x128xf32, #tpu.memory_space<vmem>>, vector<1x128xf32>
    %mul3A_33 = arith.mulf %get3A_32, %mul3A_29 : vector<1x128xf32>
    %get3A_34 = arith.constant 0 : index
    %get3A_35 = arith.constant 0 : index
    %get3A_36 = vector.load %arg10[%get3A_34, %get3A_35] : memref<1x128xf32, #tpu.memory_space<vmem>>, vector<1x128xf32>
    %add3A_37 = arith.addf %mul3A_33, %get3A_36 : vector<1x128xf32>
    %get3A_38 = arith.constant 0 : index
    %get3A_39 = arith.constant 0 : index
    %get3A_40 = vector.load %arg7[%get3A_38, %get3A_39] : memref<256x128xf32, #tpu.memory_space<vmem>>, vector<256x128xf32>
    %dot_general3A_41 = arith.constant dense<0.000000e+00> : vector<1024x128xf32>
    %dot_general3A_42 = tpu.matmul %max3A_23, %get3A_40, %dot_general3A_41 {dimension_numbers = #tpu.dot_dimension_numbers<[1], [0], [0], [1], [0, 0, 1, 1], [], []>, transpose_lhs_hint = false} : vector<1024x256xf32>, vector<256x128xf32>, vector<1024x128xf32> -> vector<1024x128xf32>
    %mul3A_43 = vector.broadcast %mul3A_29 : vector<1x128xf32> to vector<1024x128xf32>
    %mul3A_44 = arith.mulf %dot_general3A_42, %mul3A_43 : vector<1024x128xf32>
    %add3A_45 = vector.broadcast %add3A_37 : vector<1x128xf32> to vector<1024x128xf32>
    %add3A_46 = arith.addf %mul3A_44, %add3A_45 : vector<1024x128xf32>
    %max3A_47 = arith.constant 0.000000e+00 : f32
    %max3A_48 = vector.broadcast %max3A_47 : f32 to vector<1024x128xf32>
    %max3A_49 = arith.maximumf %add3A_46, %max3A_48 : vector<1024x128xf32>
    %get3A_50 = arith.constant 0 : index
    %get3A_51 = arith.constant 0 : index
    %get3A_52 = vector.load %arg11[%get3A_50, %get3A_51] : memref<1x128xf32, #tpu.memory_space<vmem>>, vector<1x128xf32>
    %mul3A_53 = vector.broadcast %get3A_52 : vector<1x128xf32> to vector<1024x128xf32>
    %mul3A_54 = arith.mulf %max3A_49, %mul3A_53 : vector<1024x128xf32>
    %reduce_sum3A = arith.constant dense<0.000000e+00> : vector<1024xf32>
    %reduce_sum3A_55 = vector.multi_reduction <add>, %mul3A_54, %reduce_sum3A [1] : vector<1024x128xf32> to vector<1024xf32>
    %broadcast_in_dim3A = vector.shape_cast %reduce_sum3A_55 : vector<1024xf32> to vector<1024x1xf32>
    %get3A_56 = arith.constant 0 : index
    %get3A_57 = arith.constant 0 : index
    %get3A_58 = vector.load %arg12[%get3A_56, %get3A_57] : memref<1x1xf32, #tpu.memory_space<vmem>>, vector<1x1xf32>
    %add3A_59 = vector.broadcast %get3A_58 : vector<1x1xf32> to vector<1024x1xf32>
    %add3A_60 = arith.addf %broadcast_in_dim3A, %add3A_59 : vector<1024x1xf32>
    %get3A_61 = arith.constant 0 : index
    %get3A_62 = arith.constant 0 : index
    %get3A_63 = vector.load %arg13[%get3A_61, %get3A_62] : memref<1x1xf32, #tpu.memory_space<vmem>>, vector<1x1xf32>
    %add3A_64 = vector.broadcast %get3A_63 : vector<1x1xf32> to vector<1024x1xf32>
    %add3A_65 = arith.addf %add3A_60, %add3A_64 : vector<1024x1xf32>
    %get3A_66 = arith.constant 0 : index
    %get3A_67 = arith.constant 0 : index
    %get3A_68 = vector.load %arg2[%get3A_66, %get3A_67] : memref<1024x1xf32, #tpu.memory_space<vmem>>, vector<1024x1xf32>
    %add3A_69 = arith.addf %add3A_65, %get3A_68 : vector<1024x1xf32>
    %swap3A = arith.constant 0 : index
    %swap3A_70 = arith.constant 0 : index
    %swap3A_71 = vector.load %arg14[%swap3A, %swap3A_70] : memref<1024x1xf32, #tpu.memory_space<vmem>>, vector<1024x1xf32>
    tpu.vector_store %arg14[%swap3A, %swap3A_70], %add3A_69 {strides = array<i32>} : memref<1024x1xf32, #tpu.memory_space<vmem>>, vector<1024x1xf32>,
    return
  }
  func.func @transform_0(%arg0: i32) -> (i32, i32) {
    %c0_i32 = arith.constant 0 : i32
    %c0_i32_0 = arith.constant 0 : i32
    return %arg0, %c0_i32 : i32, i32
  }
  func.func @transform_1(%arg0: i32) -> (i32, i32) {
    %c0_i32 = arith.constant 0 : i32
    %c0_i32_0 = arith.constant 0 : i32
    return %arg0, %c0_i32 : i32, i32
  }
  func.func @transform_2(%arg0: i32) -> (i32, i32) {
    %c0_i32 = arith.constant 0 : i32
    %c0_i32_0 = arith.constant 0 : i32
    %c0_i32_1 = arith.constant 0 : i32
    return %c0_i32, %c0_i32_0 : i32, i32
  }
  func.func @transform_3(%arg0: i32) -> (i32, i32) {
    %c0_i32 = arith.constant 0 : i32
    %c0_i32_0 = arith.constant 0 : i32
    %c0_i32_1 = arith.constant 0 : i32
    return %c0_i32, %c0_i32_0 : i32, i32
  }
  func.func @transform_4(%arg0: i32) -> (i32, i32) {
    %c0_i32 = arith.constant 0 : i32
    %c0_i32_0 = arith.constant 0 : i32
    %c0_i32_1 = arith.constant 0 : i32
    return %c0_i32, %c0_i32_0 : i32, i32
  }
  func.func @transform_5(%arg0: i32) -> (i32, i32) {
    %c0_i32 = arith.constant 0 : i32
    %c0_i32_0 = arith.constant 0 : i32
    %c0_i32_1 = arith.constant 0 : i32
    return %c0_i32, %c0_i32_0 : i32, i32
  }
  func.func @transform_6(%arg0: i32) -> (i32, i32) {
    %c0_i32 = arith.constant 0 : i32
    %c0_i32_0 = arith.constant 0 : i32
    %c0_i32_1 = arith.constant 0 : i32
    return %c0_i32, %c0_i32_0 : i32, i32
  }
  func.func @transform_7(%arg0: i32) -> (i32, i32) {
    %c0_i32 = arith.constant 0 : i32
    %c0_i32_0 = arith.constant 0 : i32
    %c0_i32_1 = arith.constant 0 : i32
    return %c0_i32, %c0_i32_0 : i32, i32
  }
  func.func @transform_8(%arg0: i32) -> (i32, i32) {
    %c0_i32 = arith.constant 0 : i32
    %c0_i32_0 = arith.constant 0 : i32
    %c0_i32_1 = arith.constant 0 : i32
    return %c0_i32, %c0_i32_0 : i32, i32
  }
  func.func @transform_9(%arg0: i32) -> (i32, i32) {
    %c0_i32 = arith.constant 0 : i32
    %c0_i32_0 = arith.constant 0 : i32
    %c0_i32_1 = arith.constant 0 : i32
    return %c0_i32, %c0_i32_0 : i32, i32
  }
  func.func @transform_10(%arg0: i32) -> (i32, i32) {
    %c0_i32 = arith.constant 0 : i32
    %c0_i32_0 = arith.constant 0 : i32
    %c0_i32_1 = arith.constant 0 : i32
    return %c0_i32, %c0_i32_0 : i32, i32
  }
  func.func @transform_11(%arg0: i32) -> (i32, i32) {
    %c0_i32 = arith.constant 0 : i32
    %c0_i32_0 = arith.constant 0 : i32
    %c0_i32_1 = arith.constant 0 : i32
    return %c0_i32, %c0_i32_0 : i32, i32
  }
  func.func @transform_12(%arg0: i32) -> (i32, i32) {
    %c0_i32 = arith.constant 0 : i32
    %c0_i32_0 = arith.constant 0 : i32
    %c0_i32_1 = arith.constant 0 : i32
    return %c0_i32, %c0_i32_0 : i32, i32
  }
  func.func @transform_13(%arg0: i32) -> (i32, i32) {
    %c0_i32 = arith.constant 0 : i32
    %c0_i32_0 = arith.constant 0 : i32
    return %arg0, %c0_i32 : i32, i32
  }
}

</mosaic_0001>

<sc_bundles>
// kernel: kernel.5.cloned.1.call-start
scs
__scs_entry_jumppad:
0x0: {  	(pc) =	sbr.rel $0x88, $3  }
0x1: {  	(tag) =	ssettag $0x0;
	lr =	simm.s32 $0x1  }
0x2: {  	[smem:$0x3F93] =	sst lr;
	_ =	strace $0xD0000000  }
0x3: {  	_ = 	snop  }
0x4: {  	_ = 	snop  }
0x5: {  	_ = 	snop  }
0x6: {  	_ = 	snop  }
0x7: {  	_ = 	snop  }
__scs_overlays_trampoline_lowered:
0x8: {  	[smem:$0x3FA2] =	sst s0  }
0x9: {  	[smem:$0x3FA3] =	sst s1  }
0xa: {  	[smem:$0x3FA4] =	sst s2  }
0xb: {  	[smem:$0x3FA5] =	sst s3  }
0xc: {  	[smem:$0x3FA6] =	sst s4  }
0xd: {  	[smem:$0x3FA7] =	sst s5  }
0xe: {  	[smem:$0x3FA8] =	sst s6  }
0xf: {  	[smem:$0x3FA9] =	sst s7  }
0x10: {  	[smem:$0x3FAA] =	sst s8  }
0x11: {  	[smem:$0x3FAB] =	sst s9;
	s0 =	simm.s32 @!p0 $0x0  }
0x12: {  	s1 =	sld [smem:$0x3F91];
	s0 =	simm.s32 @p0 $0x1  }
0x13: {  	[smem:$0x3FAC] =	sst s0;
	s0 =	simm.s32 @!p1 $0x0  }
0x14: {  	s2 =	sld [smem:$0x3F90];
	s0 =	simm.s32 @p1 $0x1  }
0x15: {  	[smem:$0x3FAD] =	sst s0;
	s0 =	simm.s32 @!p2 $0x0  }
0x16: {  	s3 =	sld [smem:$0x3FDB];
	s0 =	simm.s32 @p2 $0x1  }
0x17: {  	s4 =	simm.s32 $0x1BF5;
	[smem:$0x3FAF] =	sst s0  }
0x18: {  	s0 =	sld [smem:$0x3F92];
	_ =	swait.ge [sflag:s4], $0x0  }
0x19: {  	s7 =	sld [smem:$0x3F93]  }
0x1a: {  	s8 =	sadd.s32 $0xFFFFE003, lr  }
0x1b: {  	s9 =	sadd.s32 $0xFFFFFEF7, lr;
	s5 =	simm.s32 $0xFFFFFFFF;
	p2 =	slt.u32 s8, $0xFFFFF086  }
0x1c: {  	p1 =	slt.u32 s9, $0xF7A;
	s5 =	simm.s32 @!p2 $0x0  }
0x1d: {  	s5 =	simm.s32 @p1 $0x1;
	p0 =	seq.s32 s7, s2  }
0x1e: {  	s7 =	smul.u32 @!p0 $0xF7A, s2;
	p2 =	seq.s32 @!p0 s5, $0x0  }
0x1f: {  	s9 =	smul.u32 $0xF7A, s1;
	s8 =	simm.s32 @!p0 $0x1BF5;
	p2 =	por !p2, p0  }
0x20: {  	[sflag:s8] =	ssyncset.s32 @!p0 $0xFFFFF086;
	s6 =	sadd.s32 @!p0 s3, s7;
	s7 =	simm.s32 @!p0 $0x108  }
0x21: {  	s3 =	sadd.s32 s3, s9;
	s6 =	sadd.s32 @!p0 $0x88, s6;
	s7 =	simm.s32 @p2 $0x1082  }
0x22: {  	[simem:s7], [sflag:s8] =	dma.local @!p0 [hbm:s6], $0xF7A  }
0x23: {  	s9 =	sor.u32 $0xD0000000, s2;
	s6 =	simm.s32 $0x108;
	_ =	swait.ge @!p0 [sflag:s8], $0x0  }
0x24: {  	s3 =	sadd.s32 $0x88, s3;
	s6 =	simm.s32 @!p1 $0x1082;
	[sflag:s4] =	ssyncset.s32 $0xFFFFF086  }
0x25: {  	[simem:s6], [sflag:s4] =	dma.local [hbm:s3], $0xF7A  }
0x26: {  	[smem:$0x3F93] =	sst s1;
	(tag) =	ssettag s2;
	_ =	strace s9  }
0x27: {  	s1 =	sld [smem:$0x3FA3]  }
0x28: {  	s2 =	sld [smem:$0x3FA4]  }
0x29: {  	s4 =	sld [smem:$0x3FA6]  }
0x2a: {  	p0 =	seq.s32 s5, $0x0;
	s5 =	sld [smem:$0x3FA7]  }
0x2b: {  	s6 =	sld [smem:$0x3FA8]  }
0x2c: {  	s7 =	sld [smem:$0x3FA9]  }
0x2d: {  	s3 =	simm.s32 $0x108;
	s8 =	sld [smem:$0x3FAA]  }
0x2e: {  	s3 =	simm.s32 @!p0 $0x1082;
	s9 =	sld [smem:$0x3FAB]  }
0x2f: {  	lr =	sadd.s32 s0, s3;
	s0 =	sld [smem:$0x3FA2]  }
0x30: {  	s3 =	sld [smem:$0x3FA5]  }
0x31: {  	[smem:$0x3FAE] =	sst s10  }
0x32: {  	s10 =	sld [smem:$0x3FAC];
	_ =	sdelay $0x3  }
0x33: {  	p0 =	seq.s32 s10, $0x1;
	s10 =	sld [smem:$0x3FAE];
	_ =	sdelay $0x3  }
0x34: {  	[smem:$0x3FAE] =	sst s10  }
0x35: {  	s10 =	sld [smem:$0x3FAD];
	_ =	sdelay $0x3  }
0x36: {  	p1 =	seq.s32 s10, $0x1;
	s10 =	sld [smem:$0x3FAE];
	_ =	sdelay $0x3  }
0x37: {  	[smem:$0x3FAE] =	sst s10  }
0x38: {  	s10 =	sld [smem:$0x3FAF]  }
0x39: {  	_ = 	snop;
	(pc) =	sbr.ind lr, $3  }
0x3a: {  	_ = 	snop  }
0x3b: {  	_ = 	snop  }
0x3c: {  	p2 =	seq.s32 s10, $0x1;
	s10 =	sld [smem:$0x3FAE]  }
0x3d: {  	_ =	shalt  }
0x3e: {  	_ =	shalt  }
0x3f: {  	_ =	shalt  }
0x40: {  	_ =	shalt  }
0x41: {  	_ =	shalt  }
0x42: {  	_ =	shalt  }
0x43: {  	_ =	shalt  }
0x44: {  	_ =	shalt  }
0x45: {  	_ =	shalt  }
0x46: {  	_ =	shalt  }
0x47: {  	_ =	shalt  }
0x48: {  	_ =	shalt  }
0x49: {  	_ =	shalt  }
0x4a: {  	_ =	shalt  }
0x4b: {  	_ =	shalt  }
0x4c: {  	_ =	shalt  }
0x4d: {  	_ =	shalt  }
0x4e: {  	_ =	shalt  }
0x4f: {  	_ =	shalt  }
0x50: {  	_ =	shalt  }
0x51: {  	_ =	shalt  }
0x52: {  	_ =	shalt  }
0x53: {  	_ =	shalt  }
0x54: {  	_ =	shalt  }
0x55: {  	_ =	shalt  }
0x56: {  	_ =	shalt  }
0x57: {  	_ =	shalt  }
0x58: {  	_ =	shalt  }
0x59: {  	_ =	shalt  }
0x5a: {  	_ =	shalt  }
0x5b: {  	_ =	shalt  }
0x5c: {  	_ =	shalt  }
0x5d: {  	_ =	shalt  }
0x5e: {  	_ =	shalt  }
0x5f: {  	_ =	shalt  }
0x60: {  	_ =	shalt  }
0x61: {  	_ =	shalt  }
0x62: {  	_ =	shalt  }
0x63: {  	_ =	shalt  }
0x64: {  	_ =	shalt  }
0x65: {  	_ =	shalt  }
0x66: {  	_ =	shalt  }
0x67: {  	_ =	shalt  }
0x68: {  	_ =	shalt  }
0x69: {  	_ =	shalt  }
0x6a: {  	_ =	shalt  }
0x6b: {  	_ =	shalt  }
0x6c: {  	_ =	shalt  }
0x6d: {  	_ =	shalt  }
0x6e: {  	_ =	shalt  }
0x6f: {  	_ =	shalt  }
0x70: {  	_ =	shalt  }
0x71: {  	_ =	shalt  }
0x72: {  	_ =	shalt  }
0x73: {  	_ =	shalt  }
0x74: {  	_ =	shalt  }
0x75: {  	_ =	shalt  }
0x76: {  	_ =	shalt  }
0x77: {  	_ =	shalt  }
0x78: {  	_ =	shalt  }
0x79: {  	_ =	shalt  }
0x7a: {  	_ =	shalt  }
0x7b: {  	_ =	shalt  }
0x7c: {  	_ =	shalt  }
0x7d: {  	_ =	shalt  }
0x7e: {  	_ =	shalt  }
0x7f: {  	_ =	shalt  }
0x80: {  	_ =	shalt  }
0x81: {  	_ =	shalt  }
0x82: {  	_ =	shalt  }
0x83: {  	_ =	shalt  }
0x84: {  	_ =	shalt  }
0x85: {  	_ =	shalt  }
0x86: {  	_ =	shalt  }
0x87: {  	_ =	shalt  }
.Lfunc_end0:
.L_simem_size_0:
called_computation_lowered:
.L_overlay_start_0:
0x88: {  	s2 =	sld [smem:$0x3FD9]  }
0x89: {  	s3 =	sld [smem:$0x3FFE];
	_ =	sdelay $0x1  }
0x8a: {  	s1 =	srdreg.scid  }
0x8b: {  	s0 =	sand.u32 $0x1, s1  }
0x8c: {  	s17 =	sshll.u32 s0, $0xA;
	s2 =	sadd.s32 s3, s2  }
0x8d: {  	s2 =	sadd.s32 s2, s17  }
0x8e: {  	[smem:$0x3FBA] =	sst s2  }
0x8f: {  	_ = 	snop  }
0x90: {  	s2 =	sld [smem:$0x3FC8];
	(tm) =	ssettm $0x1  }
0x91: {  	s18 =	sld [smem:$0x3FFB];
	_ =	sdelay $0x3  }
0x92: {  	_ =	strace s18  }
0x93: {  	s3 =	sld [smem:$0x3FFC];
	_ =	sdelay $0x3  }
0x94: {  	_ =	strace s3  }
0x95: {  	s3 =	sld [smem:$0x3FFD];
	_ =	sdelay $0x3  }
0x96: {  	_ =	strace s3  }
0x97: {  	_ =	strace $0x8FFFFFFF  }
0x98: {  	s19 =	sld [smem:$0x3FDB];
	_ =	sdelay $0x1  }
0x99: {  	s4 =	simm.s32 $_scs_section_size  }
0x9a: {  	s5 =	simm.s32 $_size__tile_overlayer_lowered;
	s6 =	simm.s32 $_tile_overlayer_lowered  }
0x9b: {  	s22 =	simm.s32 $0x1BFF;
	s21 =	sshll.u32 s6, $0x1;
	s3 =	sadd.s32 s4, s19  }
0x9c: {  	s7 =	simm.s32 $0x0;
	s20 =	sshll.u32 s5, $0x1;
	s5 =	sadd.s32 s21, s3  }
0x9d: {  	[timem:s7], [sflag:s22] =	dma.local [hbm:s5], s20  }
0x9e: {  	_ =	swait.ge [sflag:s22], s20  }
0x9f: {  	s4 =	ssub.s32 $0x0, s20;
	[sflag:s22] =	ssyncset.done $0x0  }
0xa0: {  	[sflag:s22] =	ssyncadd.s32 s4;
	_ =	sdelay $0x1  }
0xa1: {  	s23 =	simm.s32 $0x1B8B  }
0xa2: {  	_ =	swait.ge [sflag:s23], $0x1  }
0xa3: {  	[sflag:s23] =	ssyncset.done $0x0  }
0xa4: {  	s25 =	simm.s32 $0x1B8E;
	s24 =	sld [smem:$0x3FFE];
	[sflag:s23] =	ssyncadd.s32 $0xFFFFFFFF  }
0xa5: {  	s26 =	simm.s32 $execute0_lowered;
	[smem:$0x3FD2] =	sst s25  }
0xa6: {  	s5 =	sshll.u32 s26, $0x1;
	_ =	strace $0x80000046;
	[dreg:$0x1] =	wrdreg $0xFFFFFFFF  }
0xa7: {  	s28 =	simm.s32 $_size_execute0_lowered;
	s3 =	sadd.s32 s3, s5;
	[dreg:$0x0] =	wrdreg $0x0  }
0xa8: {  	s5 =	sshll.u32 s28, $0x1;
	[dreg:$0x2] =	wrdreg s3  }
0xa9: {  	[dreg:$0x3] =	wrdreg s5  }
0xaa: {  	[dreg:$0x4] =	wrdreg $0xC0  }
0xab: {  	_ =	task [dreg:s7], $0x5FFFF  }
0xac: {  	[dreg:$0x1] =	wrdreg $0xFFFFFFFF  }
0xad: {  	[dreg:$0x0] =	wrdreg $0x60  }
0xae: {  	[dreg:$0x2] =	wrdreg s2  }
0xaf: {  	[dreg:$0x3] =	wrdreg s24  }
0xb0: {  	[dreg:$0x4] =	wrdreg $0x9  }
0xb1: {  	_ =	task.clear_ibuf [dreg:s7], $0x5FFFF;
	_ =	strace $0x90000046  }
0xb2: {  	s29 =	simm.s32 $0x9;
	_ =	strace $0x80000048  }
0xb3: {  	_ =	swait.ge [sflag:s29], $0x1  }
0xb4: {  	[sflag:s29] =	ssyncadd.s32 $0xFFFFFFFF  }
0xb5: {  	_ =	strace $0x90000048  }
0xb6: {  	_ =	sfence  }
0xb7: {  	s30 =	sld [smem:$0x0];
	_ =	sdelay $0x2  }
0xb8: {  	s31 =	sshll.u32 s1, $0xD;
	s1 =	sshrl.u32 s1, $0x2  }
0xb9: {  	s3 =	sand.u32 $0x4000, s31;
	s1 =	sadd.s32 s1, s30  }
0xba: {  	s0 =	sor.u32 s3, s0;
	s1 =	sshll.u32 s1, $0x11  }
0xbb: {  	s0 =	sor.u32 s1, s0  }
0xbc: {  	s0 =	sadd.s32 $0x8F2B, s0  }
0xbd: {  	[sflag:s0] =	ssyncadd.remote.s32 $0x1  }
0xbe: {  	_ =	sfence.sel $0xFFFF  }
0xbf: {  	[dreg:$0x0] =	wrdreg $0xFFFFFFFF;
	(pc) =	sbr.abs _section_cstart, $3  }
0xc0: {  	[dreg:$0x1] =	wrdreg $0xFFFFFFFF  }
0xc1: {  	_ =	task.clear_ibuf [dreg:s7], $0x2FFFF;
	_ =	strace $0x9FFFFFFF  }
0xc2: {  	(tm) =	ssettm $0x7FFFFFFF  }
0xc3: {  	_ =	shalt  }
tec
execute0_lowered:
.L_overlay_start_1:
0x0: {  	(tag) =	ssettag $0x1  }
0x1: {  	v0 =	vimm.s32 $0x2780;
	vm0 =	vcmask $0x300  }
0x2: {  	vm14 =	vcmask $0x704;
	v0 =	vsel vm0, $0x0, v0  }
0x3: {  	s0 =	srdreg.scid;
	vm15 =	vcmask $0xB08;
	v0 =	vsel vm14, $0x80, v0  }
0x4: {  	s2 =	stileid.u32;
	s1 =	rddreg [dreg:$0x0];
	vm4 =	vcmask $0xF0C;
	v0 =	vsel vm15, $0x100, v0  }
0x5: {  	s10 =	rddreg [dreg:$0x1];
	s3 =	simm.s32 $0x0;
	vm5 =	vcmask $0x1310;
	s13 =	simm.s32 $0x2400;
	v0 =	vsel vm4, $0x180, v0  }
0x6: {  	vm6 =	vcmask $0x1714;
	s14 =	simm.s32 $0x1;
	s15 =	simm.s32 $0x4800;
	s16 =	simm.s32 $0x6C00;
	v0 =	vsel vm5, $0x200, v0  }
0x7: {  	vm7 =	vcmask $0x1B18;
	s17 =	simm.s32 $0x9000;
	s18 =	simm.s32 $0x2;
	s19 =	simm.s32 $0xD000;
	v0 =	vsel vm6, $0x280, v0  }
0x8: {  	vm8 =	vcmask $0x1F1C;
	s20 =	simm.s32 $0x3;
	s21 =	simm.s32 $0x4;
	s24 =	simm.s32 $0x11000;
	v0 =	vsel vm7, $0x300, v0  }
0x9: {  	vm9 =	vcmask $0x2320;
	s25 =	simm.s32 $0x6;
	s0 =	sand.u32 $0x1, s0;
	s2 =	sshll.u32 s2, $0x1;
	v0 =	vsel vm8, $0x380, v0  }
0xa: {  	vm10 =	vcmask $0x2724;
	s26 =	simm.s32 $0x5;
	s28 =	simm.s32 $0x0;
	s2 =	sor.u32 s0, s2;
	v0 =	vsel vm9, $0x2400, v0  }
0xb: {  	vm11 =	vcmask $0x2B28;
	[smem:$0x7FF] =	sst s3;
	s5 =	sadd.s32 $0x2400, s10;
	s4 =	smul.u32 $0x9EB, s2;
	v0 =	vsel vm10, $0x2480, v0  }
.Ltmp0:
0xc: {  	vm12 =	vcmask $0x2F2C;
	s9 =	sadd.s32 $0x27AC00, s1;
	s0 =	ssub.s32 $0x2, s0;
	v0 =	vsel vm11, $0x2500, v0;
	(pc) =	sbr.rel .LBB2_1-.Ltmp0, $4  }
0xd: {  	vm13 =	vcmask $0x3330;
	s10 =	sadd.s32 $0x4F7C00, s10;
	s6 =	sshrl.u32 s0, $0x1;
	s4 =	sshrl.u32 s4, $0x5;
	v0 =	vsel vm12, $0x2580, v0  }
0xe: {  	_ =	strace $0x80000047;
	vm14 =	vcmask $0x3734;
	s0 =	ssub.s32 s0, s6;
	s7 =	sshll.u32 s4, $0xA;
	v0 =	vsel vm13, $0x2600, v0  }
0xf: {  	v1 =	vlaneseq.u32;
	p0 =	sne.s32 s2, $0x1F;
	vm15 =	vcmask $0x3B38;
	s11 =	smax.u32 s0, $0x1;
	s6 =	sadd.s32 s1, s7;
	v0 =	vsel vm14, $0x2680, v0  }
0x10: {  	v1 =	vmul.u32 $0x80, v1;
	s8 =	sadd.s32 $0x2, s4;
	s7 =	sadd.s32 $0x1, s4;
	s12 =	sadd.s32 $0x27AC80, s6;
	v0 =	vsel vm15, $0x2700, v0  }
.LBB2_11:
0x11: {  	s28 =	sadd.s32 $0x1, s28  }
0x12: {  	p1 =	sne.s32 s28, s11  }
.Ltmp1:
0x13: {  	_ = 	snop;
	(pc) =	sbr.rel @!p1 .LBB2_12-.Ltmp1, $1  }
0x14: {  	_ =	sdelay $0x3  }
.LBB2_1:
0x15: {  	[tilespmem:s3], [sflag:$0x1] =	stream.linear.gather [hbm4b:s6+s3], $0x2000, $0x38;
	[tilespmem:$0x11800] =	vst v63  }
0x16: {  	s29 =	simm.s32 $0x0  }
0x17: {  	[tilespmem:s13], [sflag:$0x1] =	stream.linear.gather [hbm4b:s12+s3], $0x2000, $0x38;
	[tilespmem:$0x11800] =	vst v63  }
.LBB2_2:
0x18: {  	s31 =	sshll.u32 s29, $0x1  }
0x19: {  	_ =	swait.ge [sflag:s14], $0x4000;
	s2 =	simm.s32 $0x0;
	s30 =	sadd.s32 s31, s7  }
0x1a: {  	[sflag:s14] =	ssyncset.done $0x0;
	v2 =	vmov s2;
	s0 =	sshll.u32 s30, $0xA  }
0x1b: {  	[sflag:s14] =	ssyncadd.s32 $0xFFFFC000;
	v3 =	vshll.u32 v2, $0x3;
	s0 =	sadd.s32 s1, s0  }
0x1c: {  	v2 =	vand.u32 $0x78, v2;
	v3 =	vand.u32 $0x1C00, v3;
	[tilespmem:s15], [sflag:$0x2] =	stream.linear.gather [hbm4b:s0+s3], $0x2000, $0x38;
	[tilespmem:$0x11800] =	vst v63  }
0x1d: {  	p1 =	seq.s32 s29, $0x0;
	s0 =	sadd.s32 $0x27AC80, s0;
	v2 =	vor.u32 v2, v3  }
0x1e: {  	v2 =	vadd.s32 v0, v2;
	[tilespmem:s16], [sflag:$0x2] =	stream.linear.gather [hbm4b:s0+s3], $0x2000, $0x38;
	[tilespmem:$0x11800] =	vst v63  }
0x1f: {  	s23 =	simm.s32 $0x1;
	s0 =	simm.s32 @!p1 $0x3  }
0x20: {  	v3 =	vmov s23;
	_ =	swait.ge @!p1 [sflag:s0], $0x4000  }
0x21: {  	v4 =	vshll.u32 v3, $0x3;
	[sflag:s0] =	ssyncset.done @!p1 $0x0  }
0x22: {  	v3 =	vand.u32 $0x79, v3;
	v4 =	vand.u32 $0x1C00, v4;
	[sflag:s0] =	ssyncadd.s32 @!p1 $0xFFFFC000  }
0x23: {  	v3 =	vor.u32 v3, v4;
	v2 =	vld.idx.msk [tilespmem:v2+s3+$0x0], $0xffff  }
0x24: {  	v3 =	vadd.s32 v0, v3  }
0x25: {  	s22 =	simm.s32 $0x2  }
0x26: {  	v4 =	vmov s22  }
0x27: {  	s2 =	simm.s32 $0x9040;
	v5 =	vshll.u32 v4, $0x3  }
0x28: {  	[tilespmem:s2+$0xFFFFFFC0] =	vst v2;
	v2 =	vand.u32 $0x7A, v4;
	v4 =	vand.u32 $0x1C00, v5  }
0x29: {  	v3 =	vld.idx.msk [tilespmem:v3+s3+$0x0], $0xffff;
	v2 =	vor.u32 v2, v4  }
0x2a: {  	v2 =	vadd.s32 v0, v2  }
0x2b: {  	s23 =	simm.s32 $0x3  }
0x2c: {  	v4 =	vmov s23  }
0x2d: {  	v5 =	vshll.u32 v4, $0x3  }
0x2e: {  	[tilespmem:s2+$0xFFFFFFD0] =	vst v3;
	v3 =	vand.u32 $0x7B, v4;
	v4 =	vand.u32 $0x1C00, v5  }
0x2f: {  	v2 =	vld.idx.msk [tilespmem:v2+s3+$0x0], $0xffff;
	v3 =	vor.u32 v3, v4  }
0x30: {  	v3 =	vadd.s32 v0, v3  }
0x31: {  	s22 =	simm.s32 $0x4  }
0x32: {  	v4 =	vmov s22  }
0x33: {  	v5 =	vshll.u32 v4, $0x3  }
0x34: {  	[tilespmem:s2+$0xFFFFFFE0] =	vst v2;
	v2 =	vand.u32 $0x7C, v4;
	v4 =	vand.u32 $0x1C00, v5  }
0x35: {  	v3 =	vld.idx.msk [tilespmem:v3+s3+$0x0], $0xffff;
	v2 =	vor.u32 v2, v4  }
0x36: {  	v2 =	vadd.s32 v0, v2  }
0x37: {  	s23 =	simm.s32 $0x5  }
0x38: {  	v4 =	vmov s23  }
0x39: {  	v5 =	vshll.u32 v4, $0x3  }
0x3a: {  	[tilespmem:s2+$0xFFFFFFF0] =	vst v3;
	v3 =	vand.u32 $0x7D, v4;
	v4 =	vand.u32 $0x1C00, v5  }
0x3b: {  	v2 =	vld.idx.msk [tilespmem:v2+s3+$0x0], $0xffff;
	v3 =	vor.u32 v3, v4  }
0x3c: {  	v3 =	vadd.s32 v0, v3  }
0x3d: {  	s22 =	simm.s32 $0x6  }
0x3e: {  	v4 =	vmov s22  }
0x3f: {  	v5 =	vshll.u32 v4, $0x3  }
0x40: {  	[tilespmem:s2+$0x0] =	vst v2;
	v2 =	vand.u32 $0x7E, v4;
	v4 =	vand.u32 $0x1C00, v5  }
0x41: {  	v3 =	vld.idx.msk [tilespmem:v3+s3+$0x0], $0xffff;
	v2 =	vor.u32 v2, v4  }
0x42: {  	v2 =	vadd.s32 v0, v2  }
0x43: {  	s23 =	simm.s32 $0x7  }
0x44: {  	v4 =	vmov s23  }
0x45: {  	v5 =	vshll.u32 v4, $0x3  }
0x46: {  	v4 =	vand.u32 $0x7F, v4;
	v5 =	vand.u32 $0x1C00, v5;
	[tilespmem:s2+$0x10] =	vst v3  }
0x47: {  	v3 =	vor.u32 v4, v5;
	v2 =	vld.idx.msk [tilespmem:v2+s3+$0x0], $0xffff  }
0x48: {  	v3 =	vadd.s32 v0, v3;
	_ =	sdelay $0x1  }
0x49: {  	s0 =	simm.s32 $0xF;
	s22 =	simm.s32 $0x17;
	s23 =	simm.s32 $0x8  }
.LBB2_3:
0x4a: {  	p1 =	sne.s32 s22, $0x3FF;
	v4 =	vmov s23  }
0x4b: {  	v5 =	vshll.u32 v4, $0x3;
	[tilespmem:s2+$0x20] =	vst v2  }
0x4c: {  	v2 =	vand.u32 $0x78, v4;
	v4 =	vand.u32 $0x1C00, v5;
	v3 =	vld.idx.msk [tilespmem:v3+s3+$0x0], $0xffff  }
0x4d: {  	v2 =	vor.u32 v2, v4  }
0x4e: {  	v2 =	vadd.s32 v0, v2;
	_ =	sdelay $0x1  }
0x4f: {  	s23 =	sadd.s32 $0xFFFFFFFA, s0  }
0x50: {  	v4 =	vmov s23  }
0x51: {  	v5 =	vshll.u32 v4, $0x3;
	[tilespmem:s2+$0x30] =	vst v3  }
0x52: {  	v3 =	vand.u32 $0x79, v4;
	v4 =	vand.u32 $0x1C00, v5;
	v2 =	vld.idx.msk [tilespmem:v2+s3+$0x0], $0xffff  }
0x53: {  	v3 =	vor.u32 v3, v4  }
0x54: {  	v3 =	vadd.s32 v0, v3;
	_ =	sdelay $0x1  }
0x55: {  	s23 =	sadd.s32 $0xFFFFFFFB, s0  }
0x56: {  	s2 =	sadd.s32 $0x80, s2;
	v4 =	vmov s23  }
0x57: {  	[tilespmem:s2+$0xFFFFFFC0] =	vst v2;
	v2 =	vshll.u32 v4, $0x3  }
0x58: {  	v4 =	vand.u32 $0x7A, v4;
	v3 =	vld.idx.msk [tilespmem:v3+s3+$0x0], $0xffff;
	v2 =	vand.u32 $0x1C00, v2  }
0x59: {  	v2 =	vor.u32 v4, v2  }
0x5a: {  	v2 =	vadd.s32 v0, v2;
	_ =	sdelay $0x1  }
0x5b: {  	s23 =	sadd.s32 $0xFFFFFFFC, s0  }
0x5c: {  	v4 =	vmov s23  }
0x5d: {  	[tilespmem:s2+$0xFFFFFFD0] =	vst v3;
	v3 =	vshll.u32 v4, $0x3  }
0x5e: {  	v4 =	vand.u32 $0x7B, v4;
	v2 =	vld.idx.msk [tilespmem:v2+s3+$0x0], $0xffff;
	v3 =	vand.u32 $0x1C00, v3  }
0x5f: {  	v3 =	vor.u32 v4, v3  }
0x60: {  	v3 =	vadd.s32 v0, v3;
	_ =	sdelay $0x1  }
0x61: {  	s23 =	sadd.s32 $0xFFFFFFFD, s0  }
0x62: {  	v4 =	vmov s23  }
0x63: {  	[tilespmem:s2+$0xFFFFFFE0] =	vst v2;
	v2 =	vshll.u32 v4, $0x3  }
0x64: {  	v4 =	vand.u32 $0x7C, v4;
	v3 =	vld.idx.msk [tilespmem:v3+s3+$0x0], $0xffff;
	v2 =	vand.u32 $0x1C00, v2  }
0x65: {  	v2 =	vor.u32 v4, v2  }
0x66: {  	v2 =	vadd.s32 v0, v2;
	_ =	sdelay $0x1  }
0x67: {  	s23 =	sadd.s32 $0xFFFFFFFE, s0  }
0x68: {  	v4 =	vmov s23  }
0x69: {  	[tilespmem:s2+$0xFFFFFFF0] =	vst v3;
	v3 =	vshll.u32 v4, $0x3  }
0x6a: {  	v4 =	vand.u32 $0x7D, v4;
	v2 =	vld.idx.msk [tilespmem:v2+s3+$0x0], $0xffff;
	v3 =	vand.u32 $0x1C00, v3  }
0x6b: {  	v3 =	vor.u32 v4, v3  }
0x6c: {  	v3 =	vadd.s32 v0, v3;
	_ =	sdelay $0x1  }
0x6d: {  	s23 =	sadd.s32 $0xFFFFFFFF, s0  }
0x6e: {  	v4 =	vmov s23  }
0x6f: {  	[tilespmem:s2+$0x0] =	vst v2;
	v2 =	vshll.u32 v4, $0x3  }
0x70: {  	v4 =	vand.u32 $0x7E, v4;
	v3 =	vld.idx.msk [tilespmem:v3+s3+$0x0], $0xffff;
	v2 =	vand.u32 $0x1C00, v2  }
0x71: {  	v2 =	vor.u32 v4, v2  }
0x72: {  	v2 =	vadd.s32 v0, v2;
	_ =	sdelay $0x2  }
0x73: {  	v4 =	vmov s0;
	s0 =	smov.u32 s22  }
0x74: {  	[tilespmem:s2+$0x10] =	vst v3;
	v3 =	vshll.u32 v4, $0x3  }
.Ltmp2:
0x75: {  	v4 =	vand.u32 $0x7F, v4;
	v2 =	vld.idx.msk [tilespmem:v2+s3+$0x0], $0xffff;
	v3 =	vand.u32 $0x1C00, v3;
	(pc) =	sbr.rel @p1 .LBB2_3-.Ltmp2, $3  }
0x76: {  	v3 =	vor.u32 v4, v3  }
0x77: {  	v3 =	vadd.s32 v0, v3;
	_ =	sdelay $0x1  }
0x78: {  	s22 =	sadd.s32 $0x8, s22;
	s23 =	sadd.s32 $0xFFFFFFF9, s0  }
0x79: {  	_ = 	snop  }
0x7a: {  	v4 =	vmov s23  }
0x7b: {  	v5 =	vshll.u32 v4, $0x3  }
0x7c: {  	[tilespmem:s2+$0x20] =	vst v2;
	v2 =	vand.u32 $0x78, v4;
	v4 =	vand.u32 $0x1C00, v5  }
0x7d: {  	v3 =	vld.idx.msk [tilespmem:v3+s3+$0x0], $0xffff;
	v2 =	vor.u32 v2, v4  }
0x7e: {  	v2 =	vadd.s32 v0, v2  }
0x7f: {  	s22 =	sadd.s32 $0xFFFFFFFA, s0  }
0x80: {  	v4 =	vmov s22  }
0x81: {  	v5 =	vshll.u32 v4, $0x3  }
0x82: {  	[tilespmem:s2+$0x30] =	vst v3;
	v3 =	vand.u32 $0x79, v4;
	v4 =	vand.u32 $0x1C00, v5  }
0x83: {  	v3 =	vor.u32 v3, v4;
	v2 =	vld.idx.msk [tilespmem:v2+s3+$0x0], $0xffff  }
0x84: {  	v3 =	vadd.s32 v0, v3  }
0x85: {  	s23 =	sadd.s32 $0xFFFFFFFB, s0  }
0x86: {  	v4 =	vmov s23  }
0x87: {  	s2 =	sadd.s32 $0x80, s2;
	v5 =	vshll.u32 v4, $0x3  }
0x88: {  	[tilespmem:s2+$0xFFFFFFC0] =	vst v2;
	v2 =	vand.u32 $0x7A, v4;
	v4 =	vand.u32 $0x1C00, v5  }
0x89: {  	v3 =	vld.idx.msk [tilespmem:v3+s3+$0x0], $0xffff;
	v2 =	vor.u32 v2, v4  }
0x8a: {  	v2 =	vadd.s32 v0, v2  }
0x8b: {  	s23 =	sadd.s32 $0xFFFFFFFC, s0  }
0x8c: {  	v4 =	vmov s23  }
0x8d: {  	v5 =	vshll.u32 v4, $0x3  }
0x8e: {  	[tilespmem:s2+$0xFFFFFFD0] =	vst v3;
	v3 =	vand.u32 $0x7B, v4;
	v4 =	vand.u32 $0x1C00, v5  }
0x8f: {  	v2 =	vld.idx.msk [tilespmem:v2+s3+$0x0], $0xffff;
	v3 =	vor.u32 v3, v4  }
0x90: {  	v3 =	vadd.s32 v0, v3  }
0x91: {  	s23 =	sadd.s32 $0xFFFFFFFD, s0  }
0x92: {  	v4 =	vmov s23  }
0x93: {  	v5 =	vshll.u32 v4, $0x3  }
0x94: {  	[tilespmem:s2+$0xFFFFFFE0] =	vst v2;
	v2 =	vand.u32 $0x7C, v4;
	v4 =	vand.u32 $0x1C00, v5  }
0x95: {  	v3 =	vld.idx.msk [tilespmem:v3+s3+$0x0], $0xffff;
	v2 =	vor.u32 v2, v4  }
0x96: {  	v2 =	vadd.s32 v0, v2  }
0x97: {  	s23 =	sadd.s32 $0xFFFFFFFE, s0  }
0x98: {  	v4 =	vmov s23  }
0x99: {  	v5 =	vshll.u32 v4, $0x3  }
0x9a: {  	[tilespmem:s2+$0xFFFFFFF0] =	vst v3;
	v3 =	vand.u32 $0x7D, v4;
	v4 =	vand.u32 $0x1C00, v5  }
0x9b: {  	v2 =	vld.idx.msk [tilespmem:v2+s3+$0x0], $0xffff;
	v3 =	vor.u32 v3, v4  }
0x9c: {  	v3 =	vadd.s32 v0, v3  }
0x9d: {  	s23 =	sadd.s32 $0xFFFFFFFF, s0  }
0x9e: {  	v4 =	vmov s23  }
0x9f: {  	v5 =	vshll.u32 v4, $0x3  }
0xa0: {  	[tilespmem:s2+$0x0] =	vst v2;
	v2 =	vand.u32 $0x7E, v4;
	v4 =	vand.u32 $0x1C00, v5  }
0xa1: {  	v3 =	vld.idx.msk [tilespmem:v3+s3+$0x0], $0xffff;
	v2 =	vor.u32 v2, v4  }
0xa2: {  	v2 =	vadd.s32 v0, v2;
	_ =	sdelay $0x1  }
0xa3: {  	v4 =	vmov s0  }
0xa4: {  	v5 =	vshll.u32 v4, $0x3  }
0xa5: {  	[tilespmem:s2+$0x10] =	vst v3;
	v3 =	vand.u32 $0x7F, v4;
	v4 =	vand.u32 $0x1C00, v5  }
0xa6: {  	v2 =	vld.idx.msk [tilespmem:v2+s3+$0x0], $0xffff;
	v3 =	vor.u32 v3, v4  }
0xa7: {  	v3 =	vadd.s32 v0, v3;
	_ =	sdelay $0x3  }
0xa8: {  	[tilespmem:s2+$0x20] =	vst v2  }
0xa9: {  	v2 =	vld.idx.msk [tilespmem:v3+s3+$0x0], $0xffff;
	_ =	sdelay $0x2  }
0xaa: {  	s23 =	sadd.s32 s4, s31  }
0xab: {  	s0 =	sshll.u32 s23, $0xB  }
0xac: {  	p1 =	seq.s32 s29, $0x27;
	s0 =	sadd.s32 s5, s0;
	[tilespmem:s2+$0x30] =	vst v2  }
0xad: {  	[hbm4b:s0+s3] =	stream.linear.scatter [tilespmem:s17], [sflag:$0x3], $0x4000, $0x38;
	[tilespmem:$0x11800] =	vst v63  }
0xae: {  	s0 =	sadd.s32 @!p1 s31, s8  }
0xaf: {  	s31 =	simm.s32 $0x0;
	_ =	swait.ge [sflag:s18], $0x4000;
	s0 =	smin.u32 @!p1 s0, $0x9EA  }
0xb0: {  	v2 =	vmov s31;
	[sflag:s18] =	ssyncset.done $0x0;
	s0 =	sshll.u32 @!p1 s0, $0xA  }
0xb1: {  	s2 =	simm.s32 @!p1 $0x0;
	v3 =	vshll.u32 v2, $0x3;
	[sflag:s18] =	ssyncadd.s32 $0xFFFFC000;
	s0 =	sadd.s32 @!p1 s1, s0  }
0xb2: {  	v2 =	vand.u32 $0x78, v2;
	v3 =	vand.u32 $0x1C00, v3;
	[tilespmem:s2], [sflag:$0x1] =	stream.linear.gather @!p1 [hbm4b:s0+s2], $0x2000, $0x38;
	[tilespmem:$0x11800] =	vst v63  }
0xb3: {  	p2 =	seq.s32 @!p1 s29, $0x0;
	s22 =	simm.s32 @!p1 $0x2400;
	s0 =	sadd.s32 @!p1 $0x27AC80, s0;
	v2 =	vor.u32 v2, v3  }
0xb4: {  	v2 =	vadd.s32 v0, v2;
	[tilespmem:s22], [sflag:$0x1] =	stream.linear.gather @!p1 [hbm4b:s0+s2], $0x2000, $0x38;
	[tilespmem:$0x11800] =	vst v63  }
0xb5: {  	p1 =	por p1, !p2;
	s2 =	simm.s32 $0x1  }
0xb6: {  	_ =	swait.ge @p1 [sflag:s21], $0x4000;
	v3 =	vmov s2  }
0xb7: {  	[sflag:s21] =	ssyncset.done @p1 $0x0;
	v4 =	vshll.u32 v3, $0x3  }
0xb8: {  	v3 =	vand.u32 $0x79, v3;
	[sflag:s21] =	ssyncadd.s32 @p1 $0xFFFFC000;
	v4 =	vand.u32 $0x1C00, v4  }
0xb9: {  	v2 =	vld.idx.msk [tilespmem:v2+s15+$0x0], $0xffff;
	v3 =	vor.u32 v3, v4  }
0xba: {  	v3 =	vadd.s32 v0, v3  }
0xbb: {  	s22 =	simm.s32 $0x2  }
0xbc: {  	v4 =	vmov s22  }
0xbd: {  	s2 =	simm.s32 $0xD040;
	v5 =	vshll.u32 v4, $0x3  }
0xbe: {  	[tilespmem:s2+$0xFFFFFFC0] =	vst v2;
	v2 =	vand.u32 $0x7A, v4;
	v4 =	vand.u32 $0x1C00, v5  }
0xbf: {  	v3 =	vld.idx.msk [tilespmem:v3+s15+$0x0], $0xffff;
	v2 =	vor.u32 v2, v4  }
0xc0: {  	v2 =	vadd.s32 v0, v2  }
0xc1: {  	s23 =	simm.s32 $0x3  }
0xc2: {  	v4 =	vmov s23  }
0xc3: {  	v5 =	vshll.u32 v4, $0x3  }
0xc4: {  	[tilespmem:s2+$0xFFFFFFD0] =	vst v3;
	v3 =	vand.u32 $0x7B, v4;
	v4 =	vand.u32 $0x1C00, v5  }
0xc5: {  	v2 =	vld.idx.msk [tilespmem:v2+s15+$0x0], $0xffff;
	v3 =	vor.u32 v3, v4  }
0xc6: {  	v3 =	vadd.s32 v0, v3  }
0xc7: {  	s31 =	simm.s32 $0x4  }
0xc8: {  	v4 =	vmov s31  }
0xc9: {  	v5 =	vshll.u32 v4, $0x3  }
0xca: {  	[tilespmem:s2+$0xFFFFFFE0] =	vst v2;
	v2 =	vand.u32 $0x7C, v4;
	v4 =	vand.u32 $0x1C00, v5  }
0xcb: {  	v3 =	vld.idx.msk [tilespmem:v3+s15+$0x0], $0xffff;
	v2 =	vor.u32 v2, v4  }
0xcc: {  	v2 =	vadd.s32 v0, v2  }
0xcd: {  	s22 =	simm.s32 $0x5  }
0xce: {  	v4 =	vmov s22  }
0xcf: {  	v5 =	vshll.u32 v4, $0x3  }
0xd0: {  	[tilespmem:s2+$0xFFFFFFF0] =	vst v3;
	v3 =	vand.u32 $0x7D, v4;
	v4 =	vand.u32 $0x1C00, v5  }
0xd1: {  	v2 =	vld.idx.msk [tilespmem:v2+s15+$0x0], $0xffff;
	v3 =	vor.u32 v3, v4  }
0xd2: {  	v3 =	vadd.s32 v0, v3  }
0xd3: {  	s23 =	simm.s32 $0x6  }
0xd4: {  	v4 =	vmov s23  }
0xd5: {  	v5 =	vshll.u32 v4, $0x3  }
0xd6: {  	[tilespmem:s2+$0x0] =	vst v2;
	v2 =	vand.u32 $0x7E, v4;
	v4 =	vand.u32 $0x1C00, v5  }
0xd7: {  	v3 =	vld.idx.msk [tilespmem:v3+s15+$0x0], $0xffff;
	v2 =	vor.u32 v2, v4  }
0xd8: {  	v2 =	vadd.s32 v0, v2  }
0xd9: {  	s31 =	simm.s32 $0x7  }
0xda: {  	v4 =	vmov s31  }
0xdb: {  	v5 =	vshll.u32 v4, $0x3  }
0xdc: {  	v4 =	vand.u32 $0x7F, v4;
	v5 =	vand.u32 $0x1C00, v5;
	[tilespmem:s2+$0x10] =	vst v3  }
0xdd: {  	v3 =	vor.u32 v4, v5;
	v2 =	vld.idx.msk [tilespmem:v2+s15+$0x0], $0xffff  }
0xde: {  	v3 =	vadd.s32 v0, v3;
	_ =	sdelay $0x1  }
0xdf: {  	s0 =	simm.s32 $0xF;
	s22 =	simm.s32 $0x17;
	s23 =	simm.s32 $0x8  }
.LBB2_5:
0xe0: {  	p1 =	sne.s32 s22, $0x3FF;
	v4 =	vmov s23  }
0xe1: {  	v5 =	vshll.u32 v4, $0x3;
	[tilespmem:s2+$0x20] =	vst v2  }
0xe2: {  	v2 =	vand.u32 $0x78, v4;
	v4 =	vand.u32 $0x1C00, v5;
	v3 =	vld.idx.msk [tilespmem:v3+s15+$0x0], $0xffff  }
0xe3: {  	v2 =	vor.u32 v2, v4  }
0xe4: {  	v2 =	vadd.s32 v0, v2;
	_ =	sdelay $0x1  }
0xe5: {  	s23 =	sadd.s32 $0xFFFFFFFA, s0  }
0xe6: {  	v4 =	vmov s23  }
0xe7: {  	v5 =	vshll.u32 v4, $0x3;
	[tilespmem:s2+$0x30] =	vst v3  }
0xe8: {  	v3 =	vand.u32 $0x79, v4;
	v4 =	vand.u32 $0x1C00, v5;
	v2 =	vld.idx.msk [tilespmem:v2+s15+$0x0], $0xffff  }
0xe9: {  	v3 =	vor.u32 v3, v4  }
0xea: {  	v3 =	vadd.s32 v0, v3;
	_ =	sdelay $0x1  }
0xeb: {  	s23 =	sadd.s32 $0xFFFFFFFB, s0  }
0xec: {  	s2 =	sadd.s32 $0x80, s2;
	v4 =	vmov s23  }
0xed: {  	[tilespmem:s2+$0xFFFFFFC0] =	vst v2;
	v2 =	vshll.u32 v4, $0x3  }
0xee: {  	v4 =	vand.u32 $0x7A, v4;
	v3 =	vld.idx.msk [tilespmem:v3+s15+$0x0], $0xffff;
	v2 =	vand.u32 $0x1C00, v2  }
0xef: {  	v2 =	vor.u32 v4, v2  }
0xf0: {  	v2 =	vadd.s32 v0, v2;
	_ =	sdelay $0x1  }
0xf1: {  	s23 =	sadd.s32 $0xFFFFFFFC, s0  }
0xf2: {  	v4 =	vmov s23  }
0xf3: {  	[tilespmem:s2+$0xFFFFFFD0] =	vst v3;
	v3 =	vshll.u32 v4, $0x3  }
0xf4: {  	v4 =	vand.u32 $0x7B, v4;
	v2 =	vld.idx.msk [tilespmem:v2+s15+$0x0], $0xffff;
	v3 =	vand.u32 $0x1C00, v3  }
0xf5: {  	v3 =	vor.u32 v4, v3  }
0xf6: {  	v3 =	vadd.s32 v0, v3;
	_ =	sdelay $0x1  }
0xf7: {  	s23 =	sadd.s32 $0xFFFFFFFD, s0  }
0xf8: {  	v4 =	vmov s23  }
0xf9: {  	[tilespmem:s2+$0xFFFFFFE0] =	vst v2;
	v2 =	vshll.u32 v4, $0x3  }
0xfa: {  	v4 =	vand.u32 $0x7C, v4;
	v3 =	vld.idx.msk [tilespmem:v3+s15+$0x0], $0xffff;
	v2 =	vand.u32 $0x1C00, v2  }
0xfb: {  	v2 =	vor.u32 v4, v2  }
0xfc: {  	v2 =	vadd.s32 v0, v2;
	_ =	sdelay $0x1  }
0xfd: {  	s23 =	sadd.s32 $0xFFFFFFFE, s0  }
0xfe: {  	v4 =	vmov s23  }
0xff: {  	[tilespmem:s2+$0xFFFFFFF0] =	vst v3;
	v3 =	vshll.u32 v4, $0x3  }
0x100: {  	v4 =	vand.u32 $0x7D, v4;
	v2 =	vld.idx.msk [tilespmem:v2+s15+$0x0], $0xffff;
	v3 =	vand.u32 $0x1C00, v3  }
0x101: {  	v3 =	vor.u32 v4, v3  }
0x102: {  	v3 =	vadd.s32 v0, v3;
	_ =	sdelay $0x1  }
0x103: {  	s23 =	sadd.s32 $0xFFFFFFFF, s0  }
0x104: {  	v4 =	vmov s23  }
0x105: {  	[tilespmem:s2+$0x0] =	vst v2;
	v2 =	vshll.u32 v4, $0x3  }
0x106: {  	v4 =	vand.u32 $0x7E, v4;
	v3 =	vld.idx.msk [tilespmem:v3+s15+$0x0], $0xffff;
	v2 =	vand.u32 $0x1C00, v2  }
0x107: {  	v2 =	vor.u32 v4, v2  }
0x108: {  	v2 =	vadd.s32 v0, v2;
	_ =	sdelay $0x2  }
0x109: {  	v4 =	vmov s0;
	s0 =	smov.u32 s22  }
0x10a: {  	[tilespmem:s2+$0x10] =	vst v3;
	v3 =	vshll.u32 v4, $0x3  }
.Ltmp3:
0x10b: {  	v4 =	vand.u32 $0x7F, v4;
	v2 =	vld.idx.msk [tilespmem:v2+s15+$0x0], $0xffff;
	v3 =	vand.u32 $0x1C00, v3;
	(pc) =	sbr.rel @p1 .LBB2_5-.Ltmp3, $3  }
0x10c: {  	v3 =	vor.u32 v4, v3  }
0x10d: {  	v3 =	vadd.s32 v0, v3;
	_ =	sdelay $0x1  }
0x10e: {  	s22 =	sadd.s32 $0x8, s22;
	s23 =	sadd.s32 $0xFFFFFFF9, s0  }
0x10f: {  	_ = 	snop  }
0x110: {  	v4 =	vmov s23  }
0x111: {  	v5 =	vshll.u32 v4, $0x3  }
0x112: {  	[tilespmem:s2+$0x20] =	vst v2;
	v2 =	vand.u32 $0x78, v4;
	v42 =	vand.u32 $0x1C00, v5  }
0x113: {  	v3 =	vld.idx.msk [tilespmem:v3+s15+$0x0], $0xffff;
	v2 =	vor.u32 v2, v42  }
0x114: {  	v2 =	vadd.s32 v0, v2  }
0x115: {  	s22 =	sadd.s32 $0xFFFFFFFA, s0  }
0x116: {  	v43 =	vmov s22  }
0x117: {  	v44 =	vshll.u32 v43, $0x3  }
0x118: {  	v45 =	vand.u32 $0x1C00, v44;
	[tilespmem:s2+$0x30] =	vst v3;
	v3 =	vand.u32 $0x79, v43  }
0x119: {  	v3 =	vor.u32 v3, v45;
	v2 =	vld.idx.msk [tilespmem:v2+s15+$0x0], $0xffff  }
0x11a: {  	v3 =	vadd.s32 v0, v3  }
0x11b: {  	s23 =	sadd.s32 $0xFFFFFFFB, s0  }
0x11c: {  	v46 =	vmov s23  }
0x11d: {  	v47 =	vshll.u32 v46, $0x3;
	s2 =	sadd.s32 $0x80, s2  }
0x11e: {  	v48 =	vand.u32 $0x1C00, v47;
	[tilespmem:s2+$0xFFFFFFC0] =	vst v2;
	v2 =	vand.u32 $0x7A, v46  }
0x11f: {  	v3 =	vld.idx.msk [tilespmem:v3+s15+$0x0], $0xffff;
	v2 =	vor.u32 v2, v48  }
0x120: {  	v2 =	vadd.s32 v0, v2  }
0x121: {  	s31 =	sadd.s32 $0xFFFFFFFC, s0  }
0x122: {  	v49 =	vmov s31  }
0x123: {  	v50 =	vshll.u32 v49, $0x3  }
0x124: {  	v51 =	vand.u32 $0x1C00, v50;
	[tilespmem:s2+$0xFFFFFFD0] =	vst v3;
	v3 =	vand.u32 $0x7B, v49  }
0x125: {  	v2 =	vld.idx.msk [tilespmem:v2+s15+$0x0], $0xffff;
	v3 =	vor.u32 v3, v51  }
0x126: {  	v3 =	vadd.s32 v0, v3  }
0x127: {  	s23 =	sadd.s32 $0xFFFFFFFD, s0  }
0x128: {  	v52 =	vmov s23  }
0x129: {  	v53 =	vshll.u32 v52, $0x3  }
0x12a: {  	v54 =	vand.u32 $0x1C00, v53;
	[tilespmem:s2+$0xFFFFFFE0] =	vst v2;
	v2 =	vand.u32 $0x7C, v52  }
0x12b: {  	v3 =	vld.idx.msk [tilespmem:v3+s15+$0x0], $0xffff;
	v2 =	vor.u32 v2, v54  }
0x12c: {  	v2 =	vadd.s32 v0, v2  }
0x12d: {  	s31 =	sadd.s32 $0xFFFFFFFE, s0  }
0x12e: {  	v55 =	vmov s31  }
0x12f: {  	v56 =	vshll.u32 v55, $0x3  }
0x130: {  	v57 =	vand.u32 $0x1C00, v56;
	[tilespmem:s2+$0xFFFFFFF0] =	vst v3;
	v3 =	vand.u32 $0x7D, v55  }
0x131: {  	v2 =	vld.idx.msk [tilespmem:v2+s15+$0x0], $0xffff;
	v3 =	vor.u32 v3, v57  }
0x132: {  	v3 =	vadd.s32 v0, v3  }
0x133: {  	s23 =	sadd.s32 $0xFFFFFFFF, s0  }
0x134: {  	v58 =	vmov s23  }
0x135: {  	v59 =	vshll.u32 v58, $0x3  }
0x136: {  	v60 =	vand.u32 $0x1C00, v59;
	[tilespmem:s2+$0x0] =	vst v2;
	v2 =	vand.u32 $0x7E, v58  }
0x137: {  	v3 =	vld.idx.msk [tilespmem:v3+s15+$0x0], $0xffff;
	v2 =	vor.u32 v2, v60  }
0x138: {  	v2 =	vadd.s32 v0, v2;
	_ =	sdelay $0x1  }
0x139: {  	v61 =	vmov s0  }
0x13a: {  	v62 =	vshll.u32 v61, $0x3  }
0x13b: {  	v63 =	vand.u32 $0x1C00, v62;
	[tilespmem:s2+$0x10] =	vst v3;
	v3 =	vand.u32 $0x7F, v61  }
0x13c: {  	v2 =	vld.idx.msk [tilespmem:v2+s15+$0x0], $0xffff;
	v3 =	vor.u32 v3, v63  }
0x13d: {  	v3 =	vadd.s32 v0, v3;
	_ =	sdelay $0x3  }
0x13e: {  	[tilespmem:s2+$0x20] =	vst v2  }
0x13f: {  	s29 =	sadd.s32 $0x1, s29;
	v2 =	vld.idx.msk [tilespmem:v3+s15+$0x0], $0xffff  }
0x140: {  	p1 =	sne.s32 s29, $0x28  }
.Ltmp4:
0x141: {  	_ = 	snop;
	(pc) =	sbr.rel @p1 .LBB2_2-.Ltmp4, $4  }
0x142: {  	_ = 	snop  }
0x143: {  	s31 =	sshll.u32 s30, $0xB  }
0x144: {  	s0 =	sadd.s32 s5, s31;
	[tilespmem:s2+$0x30] =	vst v2  }
0x145: {  	[hbm4b:s0+s3] =	stream.linear.scatter [tilespmem:s19], [sflag:$0x4], $0x4000, $0x38;
	[tilespmem:$0x11800] =	vst v63  }
0x146: {  	_ =	swait.ge [sflag:s20], $0x4000  }
.Ltmp5:
0x147: {  	[sflag:s20] =	ssyncset.done $0x0;
	(pc) =	sbr.rel @p0 .LBB2_11-.Ltmp5, $4  }
0x148: {  	[sflag:s20] =	ssyncadd.s32 $0xFFFFC000  }
0x149: {  	_ =	swait.ge [sflag:s21], $0x4000  }
0x14a: {  	[sflag:s21] =	ssyncset.done $0x0  }
0x14b: {  	[sflag:s21] =	ssyncadd.s32 $0xFFFFC000  }
0x14c: {  	s0 =	simm.s32 $0x0  }
0x14d: {  	v2 =	vmov s0  }
0x14e: {  	v2 =	vand.u32 $0x7F, v2  }
0x14f: {  	v2 =	vbroadcast v2, $0x0;
	_ =	sdelay $0x1  }
0x150: {  	s30 =	simm.s32 $0x1;
	s2 =	simm.s32 $0x400;
	s22 =	simm.s32 $0x13D6400;
	v2 =	vor.u32 v1, v2  }
0x151: {  	[tilespmem:s24], [sflag:$0x6] =	stream.strided.gather [hbm4b:s9+s2], $0x800, s22, s2, $0x38;
	[tilespmem:$0x11800] =	vst v63  }
0x152: {  	v3 =	vmov s30;
	_ =	swait.ge [sflag:s25], $0x800  }
0x153: {  	v3 =	vand.u32 $0x7F, v3;
	[sflag:s25] =	ssyncset.done $0x0  }
0x154: {  	v4 =	vbroadcast v3, $0x0;
	[sflag:s25] =	ssyncadd.s32 $0xFFFFF800  }
0x155: {  	v3 =	vld.idx.msk [tilespmem:v2+s24+$0x0], $0xffff  }
0x156: {  	v2 =	vor.u32 v1, v4;
	_ =	sdelay $0x1  }
0x157: {  	s31 =	simm.s32 $0x2  }
0x158: {  	s0 =	simm.s32 $0x9000;
	s2 =	simm.s32 $0x3;
	v4 =	vmov s31  }
.LBB2_9:
0x159: {  	p1 =	sne.s32 s2, $0x3F;
	v4 =	vand.u32 $0x7F, v4;
	[tilespmem:s0+$0x0] =	vst v3  }
0x15a: {  	v4 =	vbroadcast v4, $0x0;
	v3 =	vld.idx.msk [tilespmem:v2+s24+$0x0], $0xffff  }
.Ltmp6:
0x15b: {  	(pc) =	sbr.rel @p1 .LBB2_9-.Ltmp6, $2  }
0x15c: {  	v2 =	vor.u32 v1, v4;
	_ =	sdelay $0x2  }
0x15d: {  	s0 =	sadd.s32 $0x10, s0;
	v4 =	vmov s2;
	s2 =	sadd.s32 $0x1, s2  }
0x15e: {  	_ =	sdelay $0x1  }
0x15f: {  	v4 =	vand.u32 $0x7F, v4  }
0x160: {  	[tilespmem:s0+$0x0] =	vst v3;
	v3 =	vbroadcast v4, $0x0  }
0x161: {  	v2 =	vld.idx.msk [tilespmem:v2+s24+$0x0], $0xffff  }
0x162: {  	v3 =	vor.u32 v1, v3;
	_ =	sdelay $0x2  }
0x163: {  	s31 =	sadd.s32 $0x10, s0  }
0x164: {  	[tilespmem:s31+$0x0] =	vst v2  }
0x165: {  	v2 =	vld.idx.msk [tilespmem:v3+s24+$0x0], $0xffff;
	_ =	sdelay $0x3  }
0x166: {  	s0 =	sadd.s32 $0x10, s31  }
.Ltmp7:
0x167: {  	[tilespmem:s0+$0x0] =	vst v2;
	(pc) =	sbr.rel .LBB2_11-.Ltmp7, $4  }
0x168: {  	[hbm4b:s10+s3] =	stream.linear.scatter [tilespmem:s17], [sflag:$0x5], $0x400, $0x38;
	[tilespmem:$0x11800] =	vst v63  }
0x169: {  	_ =	swait.ge [sflag:s26], $0x400  }
0x16a: {  	[sflag:s26] =	ssyncset.done $0x0  }
0x16b: {  	[sflag:s26] =	ssyncadd.s32 $0xFFFFFC00  }
.LBB2_12:
0x16c: {  	_ =	sfence.sel $0x180000  }
0x16d: {  	[bflag:$0x0] =	sbarrier.arrive $0xFFFF  }
0x16e: {  	_ =	strace $0x90000047  }
0x16f: {  	s0 =	stileid.u32;
	[bflag:$0x2] =	sbarrier.arrive $0xFFFF  }
0x170: {  	p0 =	sne.s32 s0, $0x0;
	s0 =	rddreg [dreg:$0x2]  }
0x171: {  	s0 =	sadd.s32 @!p0 $0x100000, s0  }
0x172: {  	[sflag:s0] =	ssyncadd.tile.s32 @!p0 $0x1;
	_ =	shalt  }
.Lfunc_end2:
_tile_overlayer_lowered:
.L_overlay_start_2:
0x173: {  	(tag) =	ssettag $0x2  }
0x174: {  	s0 =	rddreg [dreg:$0x0];
	s2 =	stileid.u32  }
0x175: {  	s1 =	rddreg [dreg:$0x1];
	p0 =	sne.s32 s2, $0x0  }
0x176: {  	s3 =	rddreg [dreg:$0x2];
	[bflag:$0x3] =	sbarrier.arrive $0xFFFF;
	s2 =	simm.s32 @!p0 $0x1C06  }
0x177: {  	[timem:s3], [sflag:s2] =	dma.local @!p0 [hbm:s0], s1  }
0x178: {  	s0 =	simm.s32 @!p0 $0x6  }
0x179: {  	_ =	swait.ge @!p0 [sflag:s0], s1  }
0x17a: {  	s1 =	ssub.s32 @!p0 $0x0, s1;
	[sflag:s0] =	ssyncset.done @!p0 $0x0  }
0x17b: {  	[sflag:s0] =	ssyncadd.s32 @!p0 s1  }
0x17c: {  	[bflag:$0x3] =	sbarrier.arrive $0xFFFF  }
0x17d: {  	_ =	shalt  }

// kernel: kernel.8.cloned.1.call-start
scs
__scs_entry_jumppad:
0x0: {  	(pc) =	sbr.rel $0x88, $3  }
0x1: {  	(tag) =	ssettag $0x0;
	lr =	simm.s32 $0x1  }
0x2: {  	[smem:$0x3F93] =	sst lr;
	_ =	strace $0xD0000000  }
0x3: {  	_ = 	snop  }
0x4: {  	_ = 	snop  }
0x5: {  	_ = 	snop  }
0x6: {  	_ = 	snop  }
0x7: {  	_ = 	snop  }
__scs_overlays_trampoline_lowered:
0x8: {  	[smem:$0x3FA2] =	sst s0  }
0x9: {  	[smem:$0x3FA3] =	sst s1  }
0xa: {  	[smem:$0x3FA4] =	sst s2  }
0xb: {  	[smem:$0x3FA5] =	sst s3  }
0xc: {  	[smem:$0x3FA6] =	sst s4  }
0xd: {  	[smem:$0x3FA7] =	sst s5  }
0xe: {  	[smem:$0x3FA8] =	sst s6  }
0xf: {  	[smem:$0x3FA9] =	sst s7  }
0x10: {  	[smem:$0x3FAA] =	sst s8  }
0x11: {  	[smem:$0x3FAB] =	sst s9;
	s0 =	simm.s32 @!p0 $0x0  }
0x12: {  	s1 =	sld [smem:$0x3F91];
	s0 =	simm.s32 @p0 $0x1  }
0x13: {  	[smem:$0x3FAC] =	sst s0;
	s0 =	simm.s32 @!p1 $0x0  }
0x14: {  	s2 =	sld [smem:$0x3F90];
	s0 =	simm.s32 @p1 $0x1  }
0x15: {  	[smem:$0x3FAD] =	sst s0;
	s0 =	simm.s32 @!p2 $0x0  }
0x16: {  	s3 =	sld [smem:$0x3FDB];
	s0 =	simm.s32 @p2 $0x1  }
0x17: {  	s4 =	simm.s32 $0x1BF5;
	[smem:$0x3FAF] =	sst s0  }
0x18: {  	s0 =	sld [smem:$0x3F92];
	_ =	swait.ge [sflag:s4], $0x0  }
0x19: {  	s7 =	sld [smem:$0x3F93]  }
0x1a: {  	s8 =	sadd.s32 $0xFFFFE003, lr  }
0x1b: {  	s9 =	sadd.s32 $0xFFFFFEF7, lr;
	s5 =	simm.s32 $0xFFFFFFFF;
	p2 =	slt.u32 s8, $0xFFFFF086  }
0x1c: {  	p1 =	slt.u32 s9, $0xF7A;
	s5 =	simm.s32 @!p2 $0x0  }
0x1d: {  	s5 =	simm.s32 @p1 $0x1;
	p0 =	seq.s32 s7, s2  }
0x1e: {  	s7 =	smul.u32 @!p0 $0xF7A, s2;
	p2 =	seq.s32 @!p0 s5, $0x0  }
0x1f: {  	s9 =	smul.u32 $0xF7A, s1;
	s8 =	simm.s32 @!p0 $0x1BF5;
	p2 =	por !p2, p0  }
0x20: {  	[sflag:s8] =	ssyncset.s32 @!p0 $0xFFFFF086;
	s6 =	sadd.s32 @!p0 s3, s7;
	s7 =	simm.s32 @!p0 $0x108  }
0x21: {  	s3 =	sadd.s32 s3, s9;
	s6 =	sadd.s32 @!p0 $0x88, s6;
	s7 =	simm.s32 @p2 $0x1082  }
0x22: {  	[simem:s7], [sflag:s8] =	dma.local @!p0 [hbm:s6], $0xF7A  }
0x23: {  	s9 =	sor.u32 $0xD0000000, s2;
	s6 =	simm.s32 $0x108;
	_ =	swait.ge @!p0 [sflag:s8], $0x0  }
0x24: {  	s3 =	sadd.s32 $0x88, s3;
	s6 =	simm.s32 @!p1 $0x1082;
	[sflag:s4] =	ssyncset.s32 $0xFFFFF086  }
0x25: {  	[simem:s6], [sflag:s4] =	dma.local [hbm:s3], $0xF7A  }
0x26: {  	[smem:$0x3F93] =	sst s1;
	(tag) =	ssettag s2;
	_ =	strace s9  }
0x27: {  	s1 =	sld [smem:$0x3FA3]  }
0x28: {  	s2 =	sld [smem:$0x3FA4]  }
0x29: {  	s4 =	sld [smem:$0x3FA6]  }
0x2a: {  	p0 =	seq.s32 s5, $0x0;
	s5 =	sld [smem:$0x3FA7]  }
0x2b: {  	s6 =	sld [smem:$0x3FA8]  }
0x2c: {  	s7 =	sld [smem:$0x3FA9]  }
0x2d: {  	s3 =	simm.s32 $0x108;
	s8 =	sld [smem:$0x3FAA]  }
0x2e: {  	s3 =	simm.s32 @!p0 $0x1082;
	s9 =	sld [smem:$0x3FAB]  }
0x2f: {  	lr =	sadd.s32 s0, s3;
	s0 =	sld [smem:$0x3FA2]  }
0x30: {  	s3 =	sld [smem:$0x3FA5]  }
0x31: {  	[smem:$0x3FAE] =	sst s10  }
0x32: {  	s10 =	sld [smem:$0x3FAC];
	_ =	sdelay $0x3  }
0x33: {  	p0 =	seq.s32 s10, $0x1;
	s10 =	sld [smem:$0x3FAE];
	_ =	sdelay $0x3  }
0x34: {  	[smem:$0x3FAE] =	sst s10  }
0x35: {  	s10 =	sld [smem:$0x3FAD];
	_ =	sdelay $0x3  }
0x36: {  	p1 =	seq.s32 s10, $0x1;
	s10 =	sld [smem:$0x3FAE];
	_ =	sdelay $0x3  }
0x37: {  	[smem:$0x3FAE] =	sst s10  }
0x38: {  	s10 =	sld [smem:$0x3FAF]  }
0x39: {  	_ = 	snop;
	(pc) =	sbr.ind lr, $3  }
0x3a: {  	_ = 	snop  }
0x3b: {  	_ = 	snop  }
0x3c: {  	p2 =	seq.s32 s10, $0x1;
	s10 =	sld [smem:$0x3FAE]  }
0x3d: {  	_ =	shalt  }
0x3e: {  	_ =	shalt  }
0x3f: {  	_ =	shalt  }
0x40: {  	_ =	shalt  }
0x41: {  	_ =	shalt  }
0x42: {  	_ =	shalt  }
0x43: {  	_ =	shalt  }
0x44: {  	_ =	shalt  }
0x45: {  	_ =	shalt  }
0x46: {  	_ =	shalt  }
0x47: {  	_ =	shalt  }
0x48: {  	_ =	shalt  }
0x49: {  	_ =	shalt  }
0x4a: {  	_ =	shalt  }
0x4b: {  	_ =	shalt  }
0x4c: {  	_ =	shalt  }
0x4d: {  	_ =	shalt  }
0x4e: {  	_ =	shalt  }
0x4f: {  	_ =	shalt  }
0x50: {  	_ =	shalt  }
0x51: {  	_ =	shalt  }
0x52: {  	_ =	shalt  }
0x53: {  	_ =	shalt  }
0x54: {  	_ =	shalt  }
0x55: {  	_ =	shalt  }
0x56: {  	_ =	shalt  }
0x57: {  	_ =	shalt  }
0x58: {  	_ =	shalt  }
0x59: {  	_ =	shalt  }
0x5a: {  	_ =	shalt  }
0x5b: {  	_ =	shalt  }
0x5c: {  	_ =	shalt  }
0x5d: {  	_ =	shalt  }
0x5e: {  	_ =	shalt  }
0x5f: {  	_ =	shalt  }
0x60: {  	_ =	shalt  }
0x61: {  	_ =	shalt  }
0x62: {  	_ =	shalt  }
0x63: {  	_ =	shalt  }
0x64: {  	_ =	shalt  }
0x65: {  	_ =	shalt  }
0x66: {  	_ =	shalt  }
0x67: {  	_ =	shalt  }
0x68: {  	_ =	shalt  }
0x69: {  	_ =	shalt  }
0x6a: {  	_ =	shalt  }
0x6b: {  	_ =	shalt  }
0x6c: {  	_ =	shalt  }
0x6d: {  	_ =	shalt  }
0x6e: {  	_ =	shalt  }
0x6f: {  	_ =	shalt  }
0x70: {  	_ =	shalt  }
0x71: {  	_ =	shalt  }
0x72: {  	_ =	shalt  }
0x73: {  	_ =	shalt  }
0x74: {  	_ =	shalt  }
0x75: {  	_ =	shalt  }
0x76: {  	_ =	shalt  }
0x77: {  	_ =	shalt  }
0x78: {  	_ =	shalt  }
0x79: {  	_ =	shalt  }
0x7a: {  	_ =	shalt  }
0x7b: {  	_ =	shalt  }
0x7c: {  	_ =	shalt  }
0x7d: {  	_ =	shalt  }
0x7e: {  	_ =	shalt  }
0x7f: {  	_ =	shalt  }
0x80: {  	_ =	shalt  }
0x81: {  	_ =	shalt  }
0x82: {  	_ =	shalt  }
0x83: {  	_ =	shalt  }
0x84: {  	_ =	shalt  }
0x85: {  	_ =	shalt  }
0x86: {  	_ =	shalt  }
0x87: {  	_ =	shalt  }
.Lfunc_end0:
.L_simem_size_0:
called_computation.1_lowered:
.L_overlay_start_0:
0x88: {  	s2 =	sld [smem:$0x3FD9]  }
0x89: {  	s3 =	sld [smem:$0x3FFE];
	_ =	sdelay $0x1  }
0x8a: {  	s1 =	srdreg.scid  }
0x8b: {  	s0 =	sand.u32 $0x1, s1  }
0x8c: {  	s17 =	sshll.u32 s0, $0xA;
	s2 =	sadd.s32 s3, s2  }
0x8d: {  	s2 =	sadd.s32 s2, s17  }
0x8e: {  	[smem:$0x3FBA] =	sst s2  }
0x8f: {  	_ = 	snop  }
0x90: {  	s2 =	sld [smem:$0x3FD0];
	(tm) =	ssettm $0x1  }
0x91: {  	s18 =	sld [smem:$0x3FFB];
	_ =	sdelay $0x3  }
0x92: {  	_ =	strace s18  }
0x93: {  	s3 =	sld [smem:$0x3FFC];
	_ =	sdelay $0x3  }
0x94: {  	_ =	strace s3  }
0x95: {  	s3 =	sld [smem:$0x3FFD];
	_ =	sdelay $0x3  }
0x96: {  	_ =	strace s3  }
0x97: {  	_ =	strace $0x8FFFFFFF  }
0x98: {  	s19 =	sld [smem:$0x3FDB];
	_ =	sdelay $0x1  }
0x99: {  	s4 =	simm.s32 $_scs_section_size  }
0x9a: {  	s5 =	simm.s32 $_size__tile_overlayer_lowered;
	s6 =	simm.s32 $_tile_overlayer_lowered  }
0x9b: {  	s22 =	simm.s32 $0x1BFF;
	s21 =	sshll.u32 s6, $0x1;
	s3 =	sadd.s32 s4, s19  }
0x9c: {  	s7 =	simm.s32 $0x0;
	s20 =	sshll.u32 s5, $0x1;
	s5 =	sadd.s32 s21, s3  }
0x9d: {  	[timem:s7], [sflag:s22] =	dma.local [hbm:s5], s20  }
0x9e: {  	_ =	swait.ge [sflag:s22], s20  }
0x9f: {  	s4 =	ssub.s32 $0x0, s20;
	[sflag:s22] =	ssyncset.done $0x0  }
0xa0: {  	[sflag:s22] =	ssyncadd.s32 s4;
	_ =	sdelay $0x1  }
0xa1: {  	s23 =	simm.s32 $0x1B8B  }
0xa2: {  	_ =	swait.ge [sflag:s23], $0x1  }
0xa3: {  	[sflag:s23] =	ssyncset.done $0x0  }
0xa4: {  	s25 =	simm.s32 $0x1B8E;
	s24 =	sld [smem:$0x3FFE];
	[sflag:s23] =	ssyncadd.s32 $0xFFFFFFFF  }
0xa5: {  	s26 =	simm.s32 $execute0_lowered;
	[smem:$0x3FD2] =	sst s25  }
0xa6: {  	s5 =	sshll.u32 s26, $0x1;
	_ =	strace $0x80000049;
	[dreg:$0x1] =	wrdreg $0xFFFFFFFF  }
0xa7: {  	s28 =	simm.s32 $_size_execute0_lowered;
	s3 =	sadd.s32 s3, s5;
	[dreg:$0x0] =	wrdreg $0x0  }
0xa8: {  	s5 =	sshll.u32 s28, $0x1;
	[dreg:$0x2] =	wrdreg s3  }
0xa9: {  	[dreg:$0x3] =	wrdreg s5  }
0xaa: {  	[dreg:$0x4] =	wrdreg $0xC0  }
0xab: {  	_ =	task [dreg:s7], $0x5FFFF  }
0xac: {  	[dreg:$0x1] =	wrdreg $0xFFFFFFFF  }
0xad: {  	[dreg:$0x0] =	wrdreg $0x60  }
0xae: {  	[dreg:$0x2] =	wrdreg s24  }
0xaf: {  	[dreg:$0x3] =	wrdreg s2  }
0xb0: {  	[dreg:$0x4] =	wrdreg $0x9  }
0xb1: {  	_ =	task.clear_ibuf [dreg:s7], $0x5FFFF;
	_ =	strace $0x90000049  }
0xb2: {  	s29 =	simm.s32 $0x9;
	_ =	strace $0x8000004B  }
0xb3: {  	_ =	swait.ge [sflag:s29], $0x1  }
0xb4: {  	[sflag:s29] =	ssyncadd.s32 $0xFFFFFFFF  }
0xb5: {  	_ =	strace $0x9000004B  }
0xb6: {  	_ =	sfence  }
0xb7: {  	s30 =	sld [smem:$0x0];
	_ =	sdelay $0x2  }
0xb8: {  	s31 =	sshll.u32 s1, $0xD;
	s1 =	sshrl.u32 s1, $0x2  }
0xb9: {  	s3 =	sand.u32 $0x4000, s31;
	s1 =	sadd.s32 s1, s30  }
0xba: {  	s0 =	sor.u32 s3, s0;
	s1 =	sshll.u32 s1, $0x11  }
0xbb: {  	s0 =	sor.u32 s1, s0  }
0xbc: {  	s0 =	sadd.s32 $0x8F2B, s0  }
0xbd: {  	[sflag:s0] =	ssyncadd.remote.s32 $0x1  }
0xbe: {  	_ =	sfence.sel $0xFFFF  }
0xbf: {  	[dreg:$0x0] =	wrdreg $0xFFFFFFFF;
	(pc) =	sbr.abs _section_cstart, $3  }
0xc0: {  	[dreg:$0x1] =	wrdreg $0xFFFFFFFF  }
0xc1: {  	_ =	task.clear_ibuf [dreg:s7], $0x2FFFF;
	_ =	strace $0x9FFFFFFF  }
0xc2: {  	(tm) =	ssettm $0x7FFFFFFF  }
0xc3: {  	_ =	shalt  }
tec
execute0_lowered:
.L_overlay_start_1:
0x0: {  	(tag) =	ssettag $0x1  }
0x1: {  	s0 =	rddreg [dreg:$0x0]  }
0x2: {  	s1 =	rddreg [dreg:$0x1]  }
0x3: {  	s2 =	simm.s32 $0x0;
	s3 =	srdreg.scid;
	s5 =	stileid.u32  }
0x4: {  	s28 =	simm.s32 $0x680;
	s29 =	simm.s32 $0x1;
	s30 =	simm.s32 $0x2  }
0x5: {  	s31 =	simm.s32 $0xD680;
	[smem:$0x7FF] =	sst s2;
	s4 =	sand.u32 $0x1, s3  }
0x6: {  	s5 =	sshll.u32 s5, $0x1;
	s6 =	sadd.s32 $0x4F7E00, s0;
	s3 =	sadd.s32 $0x2400, s0  }
0x7: {  	s15 =	sadd.s32 $0x504E00, s0;
	s0 =	sadd.s32 $0x554400, s0;
	s20 =	sor.u32 s4, s5  }
0x8: {  	_ =	strace $0x8000004A;
	s4 =	ssub.s32 $0x2, s4;
	s17 =	smul.u32 $0x3400, s20  }
0x9: {  	[dreg:$0x3] =	wrdreg s15;
	s16 =	sshrl.u32 s4, $0x1;
	s7 =	smul.u32 $0x6800, s20  }
0xa: {  	s26 =	sshll.u32 s20, $0x6;
	s4 =	ssub.s32 s4, s16;
	s18 =	sshrl.u32 s17, $0x3  }
0xb: {  	s8 =	sadd.s32 $0x680, s17;
	s7 =	sadd.s32 s0, s7;
	s9 =	sadd.s32 $0xD00, s17  }
0xc: {  	s21 =	sadd.s32 $0x1380, s17;
	s14 =	sadd.s32 $0x1A00, s17;
	s15 =	sadd.s32 $0x2080, s17  }
0xd: {  	s23 =	sadd.s32 $0x2700, s17;
	s5 =	sadd.s32 s6, s18;
	[dreg:$0x4] =	wrdreg s7  }
0xe: {  	s19 =	sshrl.u32 s8, $0x3;
	s8 =	sshll.u32 s8, $0x1;
	s10 =	sshrl.u32 s9, $0x3  }
0xf: {  	s11 =	sshll.u32 s9, $0x1;
	s12 =	sshrl.u32 s21, $0x3;
	s13 =	sshll.u32 s21, $0x1  }
0x10: {  	s22 =	sshrl.u32 s14, $0x3;
	s14 =	sshll.u32 s14, $0x1;
	s16 =	sshrl.u32 s15, $0x3  }
0x11: {  	s18 =	sshll.u32 s15, $0x1;
	s21 =	sadd.s32 $0x2D80, s17;
	s7 =	sadd.s32 s6, s19  }
0x12: {  	s8 =	sadd.s32 s0, s8;
	s9 =	sadd.s32 s6, s10;
	s10 =	sadd.s32 s0, s11  }
0x13: {  	s11 =	sadd.s32 s6, s12;
	s12 =	sadd.s32 s0, s13;
	s13 =	sadd.s32 s6, s22  }
0x14: {  	s14 =	sadd.s32 s0, s14;
	s15 =	sadd.s32 s6, s16;
	s16 =	sadd.s32 s0, s18  }
0x15: {  	s19 =	sshrl.u32 s23, $0x3;
	s18 =	sshll.u32 s23, $0x1;
	s24 =	sshrl.u32 s21, $0x3  }
0x16: {  	s25 =	sshll.u32 s21, $0x1;
	s21 =	sadd.s32 s1, s26;
	s22 =	smax.u32 s4, $0x1  }
0x17: {  	v0 =	vlaneseq.u32;
	s23 =	simm.s32 $0x6E80;
	s26 =	simm.s32 $0xA280;
	[dreg:$0x5] =	wrdreg s7  }
0x18: {  	v1 =	vand.u32 $0x3, v0;
	v0 =	vmul.u32 $0x1A, v0;
	s17 =	sadd.s32 s6, s19;
	s18 =	sadd.s32 s0, s18;
	s19 =	sadd.s32 s6, s24  }
0x19: {  	v1 =	vmul.u32 $0x2, v1;
	s20 =	sadd.s32 s0, s25;
	s24 =	simm.s32 $0x3;
	s0 =	simm.s32 $0x0  }
.LBB2_1:
0x1a: {  	[tilespmem:s23], [sflag:$0x3] =	stream.linear.gather [hbm4b:s5+s2], $0x3400, $0x38;
	[tilespmem:$0xD880] =	vst v63  }
0x1b: {  	_ =	swait.ge [sflag:s24], $0x3400  }
0x1c: {  	[sflag:s24] =	ssyncset.done $0x0  }
0x1d: {  	s4 =	simm.s32 $0x3400;
	s1 =	rddreg [dreg:$0x3];
	[sflag:s24] =	ssyncadd.s32 $0xFFFFCC00  }
0x1e: {  	[tilespmem:s26], [sflag:$0x2] =	stream.indirect.gather [hbm4b:s1+s4], $0x1, s23, s4, $0xb8;
	[tilespmem:$0xD880] =	vst v63  }
0x1f: {  	_ = 	snop  }
0x20: {  	[tilespmem:s2], [sflag:$0x3] =	stream.linear.gather [hbm4b:s5+s2], $0x680, $0x38;
	[tilespmem:$0xD880] =	vst v63  }
0x21: {  	_ =	swait.ge [sflag:s24], $0x680  }
0x22: {  	[sflag:s24] =	ssyncset.done $0x0  }
0x23: {  	[sflag:s24] =	ssyncadd.s32 $0xFFFFF980  }
0x24: {  	[tilespmem:s28], [sflag:$0x1] =	stream.indirect.gather [hbm4b:s3+s28], $0x10, s2, s28, $0xb8;
	[tilespmem:$0xD880] =	vst v63  }
0x25: {  	_ =	swait.ge [sflag:s29], $0x6800  }
0x26: {  	[sflag:s29] =	ssyncset.done $0x0  }
0x27: {  	s6 =	rddreg [dreg:$0x4];
	[sflag:s29] =	ssyncadd.s32 $0xFFFF9800  }
0x28: {  	[hbm4b:s6+s2] =	stream.linear.scatter [tilespmem:s28], [sflag:$0x3], $0x6800, $0x38;
	[tilespmem:$0xD880] =	vst v63  }
0x29: {  	_ =	swait.ge [sflag:s24], $0x6800  }
0x2a: {  	[sflag:s24] =	ssyncset.done $0x0  }
0x2b: {  	s7 =	rddreg [dreg:$0x5];
	[sflag:s24] =	ssyncadd.s32 $0xFFFF9800  }
0x2c: {  	[tilespmem:s2], [sflag:$0x3] =	stream.linear.gather [hbm4b:s7+s2], $0x680, $0x38;
	[tilespmem:$0xD880] =	vst v63  }
0x2d: {  	_ =	swait.ge [sflag:s24], $0x680  }
0x2e: {  	[sflag:s24] =	ssyncset.done $0x0  }
0x2f: {  	[sflag:s24] =	ssyncadd.s32 $0xFFFFF980  }
0x30: {  	[tilespmem:s28], [sflag:$0x1] =	stream.indirect.gather [hbm4b:s3+s28], $0x10, s2, s28, $0xb8;
	[tilespmem:$0xD880] =	vst v63  }
0x31: {  	_ =	swait.ge [sflag:s29], $0x6800  }
0x32: {  	[sflag:s29] =	ssyncset.done $0x0  }
0x33: {  	[sflag:s29] =	ssyncadd.s32 $0xFFFF9800  }
0x34: {  	[hbm4b:s8+s2] =	stream.linear.scatter [tilespmem:s28], [sflag:$0x3], $0x6800, $0x38;
	[tilespmem:$0xD880] =	vst v63  }
0x35: {  	_ =	swait.ge [sflag:s24], $0x6800  }
0x36: {  	[sflag:s24] =	ssyncset.done $0x0  }
0x37: {  	[sflag:s24] =	ssyncadd.s32 $0xFFFF9800  }
0x38: {  	[tilespmem:s2], [sflag:$0x3] =	stream.linear.gather [hbm4b:s9+s2], $0x680, $0x38;
	[tilespmem:$0xD880] =	vst v63  }
0x39: {  	_ =	swait.ge [sflag:s24], $0x680  }
0x3a: {  	[sflag:s24] =	ssyncset.done $0x0  }
0x3b: {  	[sflag:s24] =	ssyncadd.s32 $0xFFFFF980  }
0x3c: {  	[tilespmem:s28], [sflag:$0x1] =	stream.indirect.gather [hbm4b:s3+s28], $0x10, s2, s28, $0xb8;
	[tilespmem:$0xD880] =	vst v63  }
0x3d: {  	_ =	swait.ge [sflag:s29], $0x6800  }
0x3e: {  	[sflag:s29] =	ssyncset.done $0x0  }
0x3f: {  	[sflag:s29] =	ssyncadd.s32 $0xFFFF9800  }
0x40: {  	[hbm4b:s10+s2] =	stream.linear.scatter [tilespmem:s28], [sflag:$0x3], $0x6800, $0x38;
	[tilespmem:$0xD880] =	vst v63  }
0x41: {  	_ =	swait.ge [sflag:s24], $0x6800  }
0x42: {  	[sflag:s24] =	ssyncset.done $0x0  }
0x43: {  	[sflag:s24] =	ssyncadd.s32 $0xFFFF9800  }
0x44: {  	[tilespmem:s2], [sflag:$0x3] =	stream.linear.gather [hbm4b:s11+s2], $0x680, $0x38;
	[tilespmem:$0xD880] =	vst v63  }
0x45: {  	_ =	swait.ge [sflag:s24], $0x680  }
0x46: {  	[sflag:s24] =	ssyncset.done $0x0  }
0x47: {  	[sflag:s24] =	ssyncadd.s32 $0xFFFFF980  }
0x48: {  	[tilespmem:s28], [sflag:$0x1] =	stream.indirect.gather [hbm4b:s3+s28], $0x10, s2, s28, $0xb8;
	[tilespmem:$0xD880] =	vst v63  }
0x49: {  	_ =	swait.ge [sflag:s29], $0x6800  }
0x4a: {  	[sflag:s29] =	ssyncset.done $0x0  }
0x4b: {  	[sflag:s29] =	ssyncadd.s32 $0xFFFF9800  }
0x4c: {  	[hbm4b:s12+s2] =	stream.linear.scatter [tilespmem:s28], [sflag:$0x3], $0x6800, $0x38;
	[tilespmem:$0xD880] =	vst v63  }
0x4d: {  	_ =	swait.ge [sflag:s24], $0x6800  }
0x4e: {  	[sflag:s24] =	ssyncset.done $0x0  }
0x4f: {  	[sflag:s24] =	ssyncadd.s32 $0xFFFF9800  }
0x50: {  	[tilespmem:s2], [sflag:$0x3] =	stream.linear.gather [hbm4b:s13+s2], $0x680, $0x38;
	[tilespmem:$0xD880] =	vst v63  }
0x51: {  	_ =	swait.ge [sflag:s24], $0x680  }
0x52: {  	[sflag:s24] =	ssyncset.done $0x0  }
0x53: {  	[sflag:s24] =	ssyncadd.s32 $0xFFFFF980  }
0x54: {  	[tilespmem:s28], [sflag:$0x1] =	stream.indirect.gather [hbm4b:s3+s28], $0x10, s2, s28, $0xb8;
	[tilespmem:$0xD880] =	vst v63  }
0x55: {  	_ =	swait.ge [sflag:s29], $0x6800  }
0x56: {  	[sflag:s29] =	ssyncset.done $0x0  }
0x57: {  	[sflag:s29] =	ssyncadd.s32 $0xFFFF9800  }
0x58: {  	[hbm4b:s14+s2] =	stream.linear.scatter [tilespmem:s28], [sflag:$0x3], $0x6800, $0x38;
	[tilespmem:$0xD880] =	vst v63  }
0x59: {  	_ =	swait.ge [sflag:s24], $0x6800  }
0x5a: {  	[sflag:s24] =	ssyncset.done $0x0  }
0x5b: {  	[sflag:s24] =	ssyncadd.s32 $0xFFFF9800  }
0x5c: {  	[tilespmem:s2], [sflag:$0x3] =	stream.linear.gather [hbm4b:s15+s2], $0x680, $0x38;
	[tilespmem:$0xD880] =	vst v63  }
0x5d: {  	_ =	swait.ge [sflag:s24], $0x680  }
0x5e: {  	[sflag:s24] =	ssyncset.done $0x0  }
0x5f: {  	[sflag:s24] =	ssyncadd.s32 $0xFFFFF980  }
0x60: {  	[tilespmem:s28], [sflag:$0x1] =	stream.indirect.gather [hbm4b:s3+s28], $0x10, s2, s28, $0xb8;
	[tilespmem:$0xD880] =	vst v63  }
0x61: {  	_ =	swait.ge [sflag:s29], $0x6800  }
0x62: {  	[sflag:s29] =	ssyncset.done $0x0  }
0x63: {  	[sflag:s29] =	ssyncadd.s32 $0xFFFF9800  }
0x64: {  	[hbm4b:s16+s2] =	stream.linear.scatter [tilespmem:s28], [sflag:$0x3], $0x6800, $0x38;
	[tilespmem:$0xD880] =	vst v63  }
0x65: {  	_ =	swait.ge [sflag:s24], $0x6800  }
0x66: {  	[sflag:s24] =	ssyncset.done $0x0  }
0x67: {  	[sflag:s24] =	ssyncadd.s32 $0xFFFF9800  }
0x68: {  	[tilespmem:s2], [sflag:$0x3] =	stream.linear.gather [hbm4b:s17+s2], $0x680, $0x38;
	[tilespmem:$0xD880] =	vst v63  }
0x69: {  	_ =	swait.ge [sflag:s24], $0x680  }
0x6a: {  	[sflag:s24] =	ssyncset.done $0x0  }
0x6b: {  	[sflag:s24] =	ssyncadd.s32 $0xFFFFF980  }
0x6c: {  	[tilespmem:s28], [sflag:$0x1] =	stream.indirect.gather [hbm4b:s3+s28], $0x10, s2, s28, $0xb8;
	[tilespmem:$0xD880] =	vst v63  }
0x6d: {  	_ =	swait.ge [sflag:s29], $0x6800  }
0x6e: {  	[sflag:s29] =	ssyncset.done $0x0  }
0x6f: {  	[sflag:s29] =	ssyncadd.s32 $0xFFFF9800  }
0x70: {  	[hbm4b:s18+s2] =	stream.linear.scatter [tilespmem:s28], [sflag:$0x3], $0x6800, $0x38;
	[tilespmem:$0xD880] =	vst v63  }
0x71: {  	_ =	swait.ge [sflag:s24], $0x6800  }
0x72: {  	[sflag:s24] =	ssyncset.done $0x0  }
0x73: {  	[sflag:s24] =	ssyncadd.s32 $0xFFFF9800  }
0x74: {  	[tilespmem:s2], [sflag:$0x3] =	stream.linear.gather [hbm4b:s19+s2], $0x680, $0x38;
	[tilespmem:$0xD880] =	vst v63  }
0x75: {  	_ =	swait.ge [sflag:s24], $0x680  }
0x76: {  	[sflag:s24] =	ssyncset.done $0x0  }
0x77: {  	[sflag:s24] =	ssyncadd.s32 $0xFFFFF980  }
0x78: {  	[tilespmem:s28], [sflag:$0x1] =	stream.indirect.gather [hbm4b:s3+s28], $0x10, s2, s28, $0xb8;
	[tilespmem:$0xD880] =	vst v63  }
0x79: {  	_ =	swait.ge [sflag:s29], $0x6800  }
0x7a: {  	[sflag:s29] =	ssyncset.done $0x0  }
0x7b: {  	s25 =	simm.s32 $0x0;
	[sflag:s29] =	ssyncadd.s32 $0xFFFF9800  }
0x7c: {  	[hbm4b:s20+s2] =	stream.linear.scatter [tilespmem:s28], [sflag:$0x3], $0x6800, $0x38;
	[tilespmem:$0xD880] =	vst v63  }
0x7d: {  	v2 =	vadd.s32 s25, v0;
	s4 =	simm.s32 $0x1;
	_ =	swait.ge [sflag:s24], $0x6800  }
0x7e: {  	v2 =	vand.u32 $0x7FF8, v2;
	v3 =	vadd.s32 s4, v0;
	[sflag:s24] =	ssyncset.done $0x0  }
0x7f: {  	v2 =	vor.u32 v1, v2;
	[sflag:s24] =	ssyncadd.s32 $0xFFFF9800  }
0x80: {  	s6 =	simm.s32 $0x2;
	_ =	swait.ge [sflag:s30], $0x3400  }
0x81: {  	v4 =	vadd.s32 s6, v0;
	[sflag:s30] =	ssyncset.done $0x0  }
0x82: {  	s7 =	simm.s32 $0x3;
	[sflag:s30] =	ssyncadd.s32 $0xFFFFCC00  }
0x83: {  	v5 =	vadd.s32 s7, v0;
	v3 =	vld.idx.msk [tilespmem:v3+s26+$0x0], $0xffff  }
0x84: {  	s25 =	simm.s32 $0x4;
	v2 =	vld.idx.msk [tilespmem:v2+s26+$0x0], $0xffff  }
0x85: {  	v6 =	vadd.s32 s25, v0  }
0x86: {  	s4 =	simm.s32 $0x5;
	v4 =	vld.idx.msk [tilespmem:v4+s26+$0x0], $0xffff  }
0x87: {  	v7 =	vadd.s32 s4, v0  }
0x88: {  	s6 =	simm.s32 $0x6;
	v5 =	vld.idx.msk [tilespmem:v5+s26+$0x0], $0xffff  }
0x89: {  	v8 =	vadd.s32 s6, v0;
	v2 =	vadd.f32 v3, v2  }
0x8a: {  	s25 =	simm.s32 $0x8;
	s7 =	simm.s32 $0x7;
	v3 =	vld.idx.msk [tilespmem:v6+s26+$0x0], $0xffff  }
0x8b: {  	v9 =	vadd.s32 s25, v0;
	v6 =	vadd.s32 s7, v0;
	v2 =	vadd.f32 v4, v2  }
0x8c: {  	v4 =	vld.idx.msk [tilespmem:v7+s26+$0x0], $0xffff;
	v7 =	vand.u32 $0x7FF8, v9  }
0x8d: {  	v7 =	vor.u32 v1, v7;
	v2 =	vadd.f32 v5, v2  }
0x8e: {  	s4 =	simm.s32 $0x9;
	v5 =	vld.idx.msk [tilespmem:v8+s26+$0x0], $0xffff  }
0x8f: {  	v46 =	vadd.s32 s4, v0;
	v2 =	vadd.f32 v3, v2  }
0x90: {  	s6 =	simm.s32 $0xA;
	v3 =	vld.idx.msk [tilespmem:v6+s26+$0x0], $0xffff  }
0x91: {  	v6 =	vadd.s32 s6, v0;
	v2 =	vadd.f32 v4, v2  }
0x92: {  	s7 =	simm.s32 $0xB;
	v4 =	vld.idx.msk [tilespmem:v7+s26+$0x0], $0xffff  }
0x93: {  	v7 =	vadd.s32 s7, v0;
	v2 =	vadd.f32 v5, v2  }
0x94: {  	s25 =	simm.s32 $0xC;
	v5 =	vld.idx.msk [tilespmem:v46+s26+$0x0], $0xffff  }
0x95: {  	v47 =	vadd.s32 s25, v0;
	v2 =	vadd.f32 v3, v2  }
0x96: {  	s4 =	simm.s32 $0xD;
	v3 =	vld.idx.msk [tilespmem:v6+s26+$0x0], $0xffff  }
0x97: {  	v6 =	vadd.s32 s4, v0;
	v2 =	vadd.f32 v4, v2  }
0x98: {  	s6 =	simm.s32 $0xE;
	v4 =	vld.idx.msk [tilespmem:v7+s26+$0x0], $0xffff  }
0x99: {  	v7 =	vadd.s32 s6, v0;
	v2 =	vadd.f32 v5, v2  }
0x9a: {  	s25 =	simm.s32 $0x10;
	s7 =	simm.s32 $0xF;
	v5 =	vld.idx.msk [tilespmem:v47+s26+$0x0], $0xffff  }
0x9b: {  	v49 =	vadd.s32 s25, v0;
	v48 =	vadd.s32 s7, v0;
	v2 =	vadd.f32 v3, v2  }
0x9c: {  	v3 =	vld.idx.msk [tilespmem:v6+s26+$0x0], $0xffff;
	v6 =	vand.u32 $0x7FF8, v49  }
0x9d: {  	v6 =	vor.u32 v1, v6;
	v2 =	vadd.f32 v4, v2  }
0x9e: {  	s4 =	simm.s32 $0x11;
	v4 =	vld.idx.msk [tilespmem:v7+s26+$0x0], $0xffff  }
0x9f: {  	v7 =	vadd.s32 s4, v0;
	v2 =	vadd.f32 v5, v2  }
0xa0: {  	s6 =	simm.s32 $0x12;
	v5 =	vld.idx.msk [tilespmem:v48+s26+$0x0], $0xffff  }
0xa1: {  	v50 =	vadd.s32 s6, v0;
	v2 =	vadd.f32 v3, v2  }
0xa2: {  	s7 =	simm.s32 $0x13;
	v3 =	vld.idx.msk [tilespmem:v6+s26+$0x0], $0xffff  }
0xa3: {  	v6 =	vadd.s32 s7, v0;
	v2 =	vadd.f32 v4, v2  }
0xa4: {  	s25 =	simm.s32 $0x14;
	v4 =	vld.idx.msk [tilespmem:v7+s26+$0x0], $0xffff  }
0xa5: {  	v7 =	vadd.s32 s25, v0;
	v2 =	vadd.f32 v5, v2  }
0xa6: {  	s4 =	simm.s32 $0x15;
	v5 =	vld.idx.msk [tilespmem:v50+s26+$0x0], $0xffff  }
0xa7: {  	v51 =	vadd.s32 s4, v0;
	v2 =	vadd.f32 v3, v2  }
0xa8: {  	s6 =	simm.s32 $0x16;
	v3 =	vld.idx.msk [tilespmem:v6+s26+$0x0], $0xffff  }
0xa9: {  	v6 =	vadd.s32 s6, v0;
	v2 =	vadd.f32 v4, v2  }
0xaa: {  	s7 =	simm.s32 $0x17;
	s25 =	simm.s32 $0x18;
	v4 =	vld.idx.msk [tilespmem:v7+s26+$0x0], $0xffff  }
0xab: {  	v52 =	vadd.s32 s25, v0;
	v7 =	vadd.s32 s7, v0;
	v2 =	vadd.f32 v5, v2  }
0xac: {  	v53 =	vand.u32 $0x7FF8, v52;
	v5 =	vld.idx.msk [tilespmem:v51+s26+$0x0], $0xffff  }
0xad: {  	v8 =	vor.u32 v1, v53;
	v2 =	vadd.f32 v3, v2  }
0xae: {  	s6 =	simm.s32 $0x19;
	v3 =	vld.idx.msk [tilespmem:v6+s26+$0x0], $0xffff  }
0xaf: {  	v6 =	vadd.s32 s6, v0;
	v2 =	vadd.f32 v4, v2  }
0xb0: {  	v4 =	vld.idx.msk [tilespmem:v7+s26+$0x0], $0xffff  }
0xb1: {  	v2 =	vadd.f32 v5, v2  }
0xb2: {  	v5 =	vld.idx.msk [tilespmem:v8+s26+$0x0], $0xffff  }
0xb3: {  	v2 =	vadd.f32 v3, v2  }
0xb4: {  	v3 =	vld.idx.msk [tilespmem:v6+s26+$0x0], $0xffff  }
0xb5: {  	s7 =	simm.s32 $0x1A0;
	v2 =	vadd.f32 v4, v2  }
0xb6: {  	s25 =	simm.s32 $0x1A1;
	v4 =	vadd.s32 s7, v0  }
0xb7: {  	v6 =	vadd.s32 s25, v0;
	v4 =	vand.u32 $0x7FF8, v4;
	v2 =	vadd.f32 v5, v2  }
0xb8: {  	v4 =	vor.u32 v1, v4  }
0xb9: {  	s4 =	simm.s32 $0x1A2;
	v2 =	vadd.f32 v3, v2  }
0xba: {  	v3 =	vadd.s32 s4, v0  }
0xbb: {  	s6 =	simm.s32 $0x1A3;
	[tilespmem:s31+$0x0] =	vst v2  }
0xbc: {  	v5 =	vadd.s32 s6, v0;
	v2 =	vld.idx.msk [tilespmem:v6+s26+$0x0], $0xffff  }
0xbd: {  	s7 =	simm.s32 $0x1A4;
	v4 =	vld.idx.msk [tilespmem:v4+s26+$0x0], $0xffff  }
0xbe: {  	v6 =	vadd.s32 s7, v0  }
0xbf: {  	s25 =	simm.s32 $0x1A5;
	v3 =	vld.idx.msk [tilespmem:v3+s26+$0x0], $0xffff  }
0xc0: {  	v7 =	vadd.s32 s25, v0  }
0xc1: {  	s4 =	simm.s32 $0x1A6;
	v5 =	vld.idx.msk [tilespmem:v5+s26+$0x0], $0xffff  }
0xc2: {  	v54 =	vadd.s32 s4, v0;
	v2 =	vadd.f32 v2, v4  }
0xc3: {  	s6 =	simm.s32 $0x1A7;
	s7 =	simm.s32 $0x1A8;
	v4 =	vld.idx.msk [tilespmem:v6+s26+$0x0], $0xffff  }
0xc4: {  	v55 =	vadd.s32 s7, v0;
	v6 =	vadd.s32 s6, v0;
	v2 =	vadd.f32 v3, v2  }
0xc5: {  	v3 =	vld.idx.msk [tilespmem:v7+s26+$0x0], $0xffff;
	v7 =	vand.u32 $0x7FF8, v55  }
0xc6: {  	v7 =	vor.u32 v1, v7;
	v2 =	vadd.f32 v5, v2  }
0xc7: {  	s25 =	simm.s32 $0x1A9;
	v5 =	vld.idx.msk [tilespmem:v54+s26+$0x0], $0xffff  }
0xc8: {  	v56 =	vadd.s32 s25, v0;
	v2 =	vadd.f32 v4, v2  }
0xc9: {  	s4 =	simm.s32 $0x1AA;
	v4 =	vld.idx.msk [tilespmem:v6+s26+$0x0], $0xffff  }
0xca: {  	v6 =	vadd.s32 s4, v0;
	v2 =	vadd.f32 v3, v2  }
0xcb: {  	s6 =	simm.s32 $0x1AB;
	v3 =	vld.idx.msk [tilespmem:v7+s26+$0x0], $0xffff  }
0xcc: {  	v7 =	vadd.s32 s6, v0;
	v2 =	vadd.f32 v5, v2  }
0xcd: {  	s7 =	simm.s32 $0x1AC;
	v5 =	vld.idx.msk [tilespmem:v56+s26+$0x0], $0xffff  }
0xce: {  	v57 =	vadd.s32 s7, v0;
	v2 =	vadd.f32 v4, v2  }
0xcf: {  	s25 =	simm.s32 $0x1AD;
	v4 =	vld.idx.msk [tilespmem:v6+s26+$0x0], $0xffff  }
0xd0: {  	v6 =	vadd.s32 s25, v0;
	v2 =	vadd.f32 v3, v2  }
0xd1: {  	s4 =	simm.s32 $0x1AE;
	v3 =	vld.idx.msk [tilespmem:v7+s26+$0x0], $0xffff  }
0xd2: {  	v7 =	vadd.s32 s4, v0;
	v2 =	vadd.f32 v5, v2  }
0xd3: {  	s7 =	simm.s32 $0x1B0;
	s6 =	simm.s32 $0x1AF;
	v5 =	vld.idx.msk [tilespmem:v57+s26+$0x0], $0xffff  }
0xd4: {  	v59 =	vadd.s32 s7, v0;
	v58 =	vadd.s32 s6, v0;
	v2 =	vadd.f32 v4, v2  }
0xd5: {  	v4 =	vld.idx.msk [tilespmem:v6+s26+$0x0], $0xffff;
	v6 =	vand.u32 $0x7FF8, v59  }
0xd6: {  	v6 =	vor.u32 v1, v6;
	v2 =	vadd.f32 v3, v2  }
0xd7: {  	s25 =	simm.s32 $0x1B1;
	v3 =	vld.idx.msk [tilespmem:v7+s26+$0x0], $0xffff  }
0xd8: {  	v7 =	vadd.s32 s25, v0;
	v2 =	vadd.f32 v5, v2  }
0xd9: {  	s4 =	simm.s32 $0x1B2;
	v5 =	vld.idx.msk [tilespmem:v58+s26+$0x0], $0xffff  }
0xda: {  	v60 =	vadd.s32 s4, v0;
	v2 =	vadd.f32 v4, v2  }
0xdb: {  	s6 =	simm.s32 $0x1B3;
	v4 =	vld.idx.msk [tilespmem:v6+s26+$0x0], $0xffff  }
0xdc: {  	v6 =	vadd.s32 s6, v0;
	v2 =	vadd.f32 v3, v2  }
0xdd: {  	v3 =	vld.idx.msk [tilespmem:v7+s26+$0x0], $0xffff  }
0xde: {  	s7 =	simm.s32 $0x1B4;
	v2 =	vadd.f32 v5, v2  }
0xdf: {  	v7 =	vadd.s32 s7, v0;
	v5 =	vld.idx.msk [tilespmem:v60+s26+$0x0], $0xffff  }
0xe0: {  	s25 =	simm.s32 $0x1B5;
	v2 =	vadd.f32 v4, v2  }
0xe1: {  	v61 =	vadd.s32 s25, v0;
	v4 =	vld.idx.msk [tilespmem:v6+s26+$0x0], $0xffff  }
0xe2: {  	s4 =	simm.s32 $0x1B6;
	v2 =	vadd.f32 v3, v2  }
0xe3: {  	v6 =	vadd.s32 s4, v0  }
0xe4: {  	s6 =	simm.s32 $0x1B7;
	s7 =	simm.s32 $0x1B8;
	v3 =	vld.idx.msk [tilespmem:v7+s26+$0x0], $0xffff;
	v2 =	vadd.f32 v5, v2  }
0xe5: {  	v62 =	vadd.s32 s7, v0;
	v7 =	vadd.s32 s6, v0  }
0xe6: {  	v5 =	vld.idx.msk [tilespmem:v61+s26+$0x0], $0xffff;
	v2 =	vadd.f32 v4, v2;
	v4 =	vand.u32 $0x7FF8, v62  }
0xe7: {  	v4 =	vor.u32 v1, v4  }
0xe8: {  	s25 =	simm.s32 $0x1B9;
	v6 =	vld.idx.msk [tilespmem:v6+s26+$0x0], $0xffff  }
0xe9: {  	v63 =	vadd.s32 s25, v0;
	v2 =	vadd.f32 v3, v2  }
0xea: {  	v7 =	vld.idx.msk [tilespmem:v7+s26+$0x0], $0xffff  }
0xeb: {  	v2 =	vadd.f32 v5, v2  }
0xec: {  	v3 =	vld.idx.msk [tilespmem:v4+s26+$0x0], $0xffff  }
0xed: {  	v5 =	vadd.f32 v6, v2  }
0xee: {  	s1 =	simm.s32 $0x359;
	v2 =	vld.idx.msk [tilespmem:v63+s26+$0x0], $0xffff  }
0xef: {  	s25 =	simm.s32 $0xD680;
	s4 =	simm.s32 $0x4F9;
	s6 =	simm.s32 $0x340;
	v4 =	vadd.f32 v7, v5  }
.LBB2_2:
0xf0: {  	p0 =	sne.s32 s4, $0x3279;
	v5 =	vadd.s32 s6, v0;
	s6 =	sadd.s32 $0xFFFFFFE8, s1  }
0xf1: {  	v5 =	vand.u32 $0x7FF8, v5;
	v6 =	vadd.s32 s6, v0;
	v3 =	vadd.f32 v3, v4  }
0xf2: {  	v4 =	vor.u32 v1, v5  }
0xf3: {  	s6 =	sadd.s32 $0xFFFFFFE9, s1;
	v2 =	vadd.f32 v2, v3  }
0xf4: {  	s25 =	sadd.s32 $0x10, s25;
	v3 =	vadd.s32 s6, v0  }
0xf5: {  	s6 =	sadd.s32 $0xFFFFFFEA, s1;
	[tilespmem:s25+$0x0] =	vst v2  }
0xf6: {  	v5 =	vadd.s32 s6, v0;
	v2 =	vld.idx.msk [tilespmem:v6+s26+$0x0], $0xffff  }
0xf7: {  	s6 =	sadd.s32 $0xFFFFFFEB, s1;
	v4 =	vld.idx.msk [tilespmem:v4+s26+$0x0], $0xffff  }
0xf8: {  	v6 =	vadd.s32 s6, v0  }
0xf9: {  	s6 =	sadd.s32 $0xFFFFFFEC, s1;
	v3 =	vld.idx.msk [tilespmem:v3+s26+$0x0], $0xffff  }
0xfa: {  	v7 =	vadd.s32 s6, v0  }
0xfb: {  	s6 =	sadd.s32 $0xFFFFFFED, s1;
	v5 =	vld.idx.msk [tilespmem:v5+s26+$0x0], $0xffff  }
0xfc: {  	v8 =	vadd.s32 s6, v0  }
0xfd: {  	s7 =	sadd.s32 $0xFFFFFFEF, s1;
	s6 =	sadd.s32 $0xFFFFFFEE, s1;
	v2 =	vadd.f32 v2, v4;
	v4 =	vld.idx.msk [tilespmem:v6+s26+$0x0], $0xffff  }
0xfe: {  	v9 =	vadd.s32 s7, v0;
	v6 =	vadd.s32 s6, v0  }
0xff: {  	v2 =	vadd.f32 v3, v2;
	v3 =	vld.idx.msk [tilespmem:v7+s26+$0x0], $0xffff;
	v7 =	vand.u32 $0x7FF8, v9  }
0x100: {  	v7 =	vor.u32 v1, v7  }
0x101: {  	s6 =	sadd.s32 $0xFFFFFFF0, s1;
	v2 =	vadd.f32 v5, v2;
	v5 =	vld.idx.msk [tilespmem:v8+s26+$0x0], $0xffff  }
0x102: {  	v8 =	vadd.s32 s6, v0  }
0x103: {  	s6 =	sadd.s32 $0xFFFFFFF1, s1;
	v2 =	vadd.f32 v4, v2;
	v4 =	vld.idx.msk [tilespmem:v6+s26+$0x0], $0xffff  }
0x104: {  	v6 =	vadd.s32 s6, v0  }
0x105: {  	s6 =	sadd.s32 $0xFFFFFFF2, s1;
	v2 =	vadd.f32 v3, v2;
	v3 =	vld.idx.msk [tilespmem:v7+s26+$0x0], $0xffff  }
0x106: {  	v7 =	vadd.s32 s6, v0  }
0x107: {  	s6 =	sadd.s32 $0xFFFFFFF3, s1;
	v2 =	vadd.f32 v5, v2;
	v5 =	vld.idx.msk [tilespmem:v8+s26+$0x0], $0xffff  }
0x108: {  	v8 =	vadd.s32 s6, v0  }
0x109: {  	s6 =	sadd.s32 $0xFFFFFFF4, s1;
	v2 =	vadd.f32 v4, v2;
	v4 =	vld.idx.msk [tilespmem:v6+s26+$0x0], $0xffff  }
0x10a: {  	v6 =	vadd.s32 s6, v0  }
0x10b: {  	s6 =	sadd.s32 $0xFFFFFFF5, s1;
	v2 =	vadd.f32 v3, v2;
	v3 =	vld.idx.msk [tilespmem:v7+s26+$0x0], $0xffff  }
0x10c: {  	v7 =	vadd.s32 s6, v0  }
0x10d: {  	s7 =	sadd.s32 $0xFFFFFFF7, s1;
	s6 =	sadd.s32 $0xFFFFFFF6, s1;
	v2 =	vadd.f32 v5, v2;
	v5 =	vld.idx.msk [tilespmem:v8+s26+$0x0], $0xffff  }
0x10e: {  	v9 =	vadd.s32 s7, v0;
	v8 =	vadd.s32 s6, v0  }
0x10f: {  	v2 =	vadd.f32 v4, v2;
	v4 =	vld.idx.msk [tilespmem:v6+s26+$0x0], $0xffff;
	v6 =	vand.u32 $0x7FF8, v9  }
0x110: {  	v6 =	vor.u32 v1, v6  }
0x111: {  	s6 =	sadd.s32 $0xFFFFFFF8, s1;
	v2 =	vadd.f32 v3, v2;
	v3 =	vld.idx.msk [tilespmem:v7+s26+$0x0], $0xffff  }
0x112: {  	v7 =	vadd.s32 s6, v0  }
0x113: {  	s6 =	sadd.s32 $0xFFFFFFF9, s1;
	v2 =	vadd.f32 v5, v2;
	v5 =	vld.idx.msk [tilespmem:v8+s26+$0x0], $0xffff  }
0x114: {  	v8 =	vadd.s32 s6, v0  }
0x115: {  	s6 =	sadd.s32 $0xFFFFFFFA, s1;
	v2 =	vadd.f32 v4, v2;
	v4 =	vld.idx.msk [tilespmem:v6+s26+$0x0], $0xffff  }
0x116: {  	v6 =	vadd.s32 s6, v0  }
0x117: {  	s6 =	sadd.s32 $0xFFFFFFFB, s1;
	v2 =	vadd.f32 v3, v2;
	v3 =	vld.idx.msk [tilespmem:v7+s26+$0x0], $0xffff  }
0x118: {  	v7 =	vadd.s32 s6, v0  }
0x119: {  	s6 =	sadd.s32 $0xFFFFFFFC, s1;
	v2 =	vadd.f32 v5, v2;
	v5 =	vld.idx.msk [tilespmem:v8+s26+$0x0], $0xffff  }
0x11a: {  	v8 =	vadd.s32 s6, v0  }
0x11b: {  	s6 =	sadd.s32 $0xFFFFFFFD, s1;
	v2 =	vadd.f32 v4, v2;
	v4 =	vld.idx.msk [tilespmem:v6+s26+$0x0], $0xffff  }
0x11c: {  	v6 =	vadd.s32 s6, v0  }
0x11d: {  	s7 =	sadd.s32 $0xFFFFFFFF, s1;
	s6 =	sadd.s32 $0xFFFFFFFE, s1;
	v2 =	vadd.f32 v3, v2;
	v3 =	vld.idx.msk [tilespmem:v7+s26+$0x0], $0xffff  }
0x11e: {  	v9 =	vadd.s32 s7, v0;
	v7 =	vadd.s32 s6, v0  }
0x11f: {  	v2 =	vadd.f32 v5, v2;
	v5 =	vld.idx.msk [tilespmem:v8+s26+$0x0], $0xffff;
	v8 =	vand.u32 $0x7FF8, v9  }
0x120: {  	v8 =	vor.u32 v1, v8  }
0x121: {  	v2 =	vadd.f32 v4, v2;
	v4 =	vld.idx.msk [tilespmem:v6+s26+$0x0], $0xffff  }
0x122: {  	v6 =	vadd.s32 s1, v0;
	s1 =	smov.u32 s4  }
0x123: {  	v2 =	vadd.f32 v3, v2;
	v7 =	vld.idx.msk [tilespmem:v7+s26+$0x0], $0xffff;
	_ =	sdelay $0x1  }
.Ltmp0:
0x124: {  	v2 =	vadd.f32 v5, v2;
	v3 =	vld.idx.msk [tilespmem:v8+s26+$0x0], $0xffff;
	(pc) =	sbr.rel @p0 .LBB2_2-.Ltmp0, $3  }
0x125: {  	_ = 	snop  }
0x126: {  	v4 =	vadd.f32 v4, v2;
	v2 =	vld.idx.msk [tilespmem:v6+s26+$0x0], $0xffff;
	_ =	sdelay $0x1  }
0x127: {  	s4 =	sadd.s32 $0x1A0, s4;
	s6 =	sadd.s32 $0xFFFFFFE7, s1;
	v4 =	vadd.f32 v7, v4  }
0x128: {  	v5 =	vadd.s32 s6, v0;
	s4 =	sadd.s32 $0xFFFFFFE8, s1  }
0x129: {  	v5 =	vand.u32 $0x7FF8, v5;
	v6 =	vadd.s32 s4, v0;
	v3 =	vadd.f32 v3, v4  }
0x12a: {  	v25 =	vor.u32 v1, v5  }
0x12b: {  	s7 =	sadd.s32 $0xFFFFFFE9, s1;
	v2 =	vadd.f32 v2, v3  }
0x12c: {  	s4 =	sadd.s32 $0x10, s25;
	v3 =	vadd.s32 s7, v0  }
0x12d: {  	s25 =	sadd.s32 $0xFFFFFFEA, s1;
	[tilespmem:s4+$0x0] =	vst v2  }
0x12e: {  	v26 =	vadd.s32 s25, v0;
	v2 =	vld.idx.msk [tilespmem:v6+s26+$0x0], $0xffff  }
0x12f: {  	s7 =	sadd.s32 $0xFFFFFFEB, s1;
	v4 =	vld.idx.msk [tilespmem:v25+s26+$0x0], $0xffff  }
0x130: {  	v27 =	vadd.s32 s7, v0  }
0x131: {  	s25 =	sadd.s32 $0xFFFFFFEC, s1;
	v3 =	vld.idx.msk [tilespmem:v3+s26+$0x0], $0xffff  }
0x132: {  	v7 =	vadd.s32 s25, v0  }
0x133: {  	s7 =	sadd.s32 $0xFFFFFFED, s1;
	v5 =	vld.idx.msk [tilespmem:v26+s26+$0x0], $0xffff  }
0x134: {  	v8 =	vadd.s32 s7, v0;
	v2 =	vadd.f32 v2, v4  }
0x135: {  	s25 =	sadd.s32 $0xFFFFFFEE, s1;
	s7 =	sadd.s32 $0xFFFFFFEF, s1;
	v28 =	vld.idx.msk [tilespmem:v27+s26+$0x0], $0xffff  }
0x136: {  	v29 =	vadd.s32 s25, v0;
	v9 =	vadd.s32 s7, v0;
	v2 =	vadd.f32 v3, v2  }
0x137: {  	v30 =	vand.u32 $0x7FF8, v9;
	v3 =	vld.idx.msk [tilespmem:v7+s26+$0x0], $0xffff  }
0x138: {  	v7 =	vor.u32 v1, v30;
	v2 =	vadd.f32 v5, v2  }
0x139: {  	s7 =	sadd.s32 $0xFFFFFFF0, s1;
	v31 =	vld.idx.msk [tilespmem:v8+s26+$0x0], $0xffff  }
0x13a: {  	v32 =	vadd.s32 s7, v0;
	v2 =	vadd.f32 v28, v2  }
0x13b: {  	s25 =	sadd.s32 $0xFFFFFFF1, s1;
	v33 =	vld.idx.msk [tilespmem:v29+s26+$0x0], $0xffff  }
0x13c: {  	v34 =	vadd.s32 s25, v0;
	v2 =	vadd.f32 v3, v2  }
0x13d: {  	s7 =	sadd.s32 $0xFFFFFFF2, s1;
	v3 =	vld.idx.msk [tilespmem:v7+s26+$0x0], $0xffff  }
0x13e: {  	v35 =	vadd.s32 s7, v0;
	v2 =	vadd.f32 v31, v2  }
0x13f: {  	s25 =	sadd.s32 $0xFFFFFFF3, s1;
	v36 =	vld.idx.msk [tilespmem:v32+s26+$0x0], $0xffff  }
0x140: {  	v37 =	vadd.s32 s25, v0;
	v2 =	vadd.f32 v33, v2  }
0x141: {  	s7 =	sadd.s32 $0xFFFFFFF4, s1;
	v38 =	vld.idx.msk [tilespmem:v34+s26+$0x0], $0xffff  }
0x142: {  	v39 =	vadd.s32 s7, v0;
	v2 =	vadd.f32 v3, v2  }
0x143: {  	s25 =	sadd.s32 $0xFFFFFFF5, s1;
	v3 =	vld.idx.msk [tilespmem:v35+s26+$0x0], $0xffff  }
0x144: {  	v40 =	vadd.s32 s25, v0;
	v2 =	vadd.f32 v36, v2  }
0x145: {  	s25 =	sadd.s32 $0xFFFFFFF7, s1;
	s7 =	sadd.s32 $0xFFFFFFF6, s1;
	v41 =	vld.idx.msk [tilespmem:v37+s26+$0x0], $0xffff  }
0x146: {  	v43 =	vadd.s32 s25, v0;
	v42 =	vadd.s32 s7, v0;
	v2 =	vadd.f32 v38, v2  }
0x147: {  	v45 =	vand.u32 $0x7FF8, v43;
	v44 =	vld.idx.msk [tilespmem:v39+s26+$0x0], $0xffff  }
0x148: {  	v6 =	vor.u32 v1, v45;
	v2 =	vadd.f32 v3, v2  }
0x149: {  	s7 =	sadd.s32 $0xFFFFFFF8, s1;
	v3 =	vld.idx.msk [tilespmem:v40+s26+$0x0], $0xffff  }
0x14a: {  	v46 =	vadd.s32 s7, v0;
	v2 =	vadd.f32 v41, v2  }
0x14b: {  	s25 =	sadd.s32 $0xFFFFFFF9, s1;
	v47 =	vld.idx.msk [tilespmem:v42+s26+$0x0], $0xffff  }
0x14c: {  	v48 =	vadd.s32 s25, v0;
	v2 =	vadd.f32 v44, v2  }
0x14d: {  	s7 =	sadd.s32 $0xFFFFFFFA, s1;
	v49 =	vld.idx.msk [tilespmem:v6+s26+$0x0], $0xffff  }
0x14e: {  	v50 =	vadd.s32 s7, v0;
	v2 =	vadd.f32 v3, v2  }
0x14f: {  	s25 =	sadd.s32 $0xFFFFFFFB, s1;
	v3 =	vld.idx.msk [tilespmem:v46+s26+$0x0], $0xffff  }
0x150: {  	v51 =	vadd.s32 s25, v0;
	v2 =	vadd.f32 v47, v2  }
0x151: {  	s7 =	sadd.s32 $0xFFFFFFFC, s1;
	v52 =	vld.idx.msk [tilespmem:v48+s26+$0x0], $0xffff  }
0x152: {  	v53 =	vadd.s32 s7, v0;
	v2 =	vadd.f32 v49, v2  }
0x153: {  	s25 =	sadd.s32 $0xFFFFFFFD, s1;
	v54 =	vld.idx.msk [tilespmem:v50+s26+$0x0], $0xffff  }
0x154: {  	v55 =	vadd.s32 s25, v0;
	v2 =	vadd.f32 v3, v2  }
0x155: {  	s25 =	sadd.s32 $0xFFFFFFFF, s1;
	s7 =	sadd.s32 $0xFFFFFFFE, s1;
	v3 =	vld.idx.msk [tilespmem:v51+s26+$0x0], $0xffff  }
0x156: {  	v57 =	vadd.s32 s25, v0;
	v56 =	vadd.s32 s7, v0;
	v2 =	vadd.f32 v52, v2  }
0x157: {  	v59 =	vand.u32 $0x7FF8, v57;
	v58 =	vld.idx.msk [tilespmem:v53+s26+$0x0], $0xffff  }
0x158: {  	v8 =	vor.u32 v1, v59;
	v2 =	vadd.f32 v54, v2  }
0x159: {  	v60 =	vld.idx.msk [tilespmem:v55+s26+$0x0], $0xffff  }
0x15a: {  	v61 =	vadd.s32 s1, v0;
	v2 =	vadd.f32 v3, v2  }
0x15b: {  	v3 =	vld.idx.msk [tilespmem:v56+s26+$0x0], $0xffff  }
0x15c: {  	v2 =	vadd.f32 v58, v2  }
0x15d: {  	v62 =	vld.idx.msk [tilespmem:v8+s26+$0x0], $0xffff  }
0x15e: {  	v2 =	vadd.f32 v60, v2  }
0x15f: {  	v63 =	vld.idx.msk [tilespmem:v61+s26+$0x0], $0xffff  }
0x160: {  	v2 =	vadd.f32 v3, v2;
	_ =	sdelay $0x1  }
0x161: {  	v2 =	vadd.f32 v62, v2;
	_ =	sdelay $0x1  }
0x162: {  	s0 =	sadd.s32 $0x1, s0;
	v2 =	vadd.f32 v63, v2  }
0x163: {  	p0 =	sne.s32 s0, s22;
	s25 =	sadd.s32 $0x10, s4  }
.Ltmp1:
0x164: {  	[tilespmem:s25+$0x0] =	vst v2;
	(pc) =	sbr.rel @p0 .LBB2_1-.Ltmp1, $4  }
0x165: {  	[hbm4b:s21+s2] =	stream.linear.scatter [tilespmem:s31], [sflag:$0x3], $0x200, $0x38;
	[tilespmem:$0xD880] =	vst v63  }
0x166: {  	_ =	swait.ge [sflag:s24], $0x200  }
0x167: {  	[sflag:s24] =	ssyncset.done $0x0  }
0x168: {  	[sflag:s24] =	ssyncadd.s32 $0xFFFFFE00  }
0x169: {  	_ =	sfence.sel $0x180000  }
0x16a: {  	[bflag:$0x0] =	sbarrier.arrive $0xFFFF  }
0x16b: {  	_ =	strace $0x9000004A  }
0x16c: {  	s0 =	stileid.u32;
	[bflag:$0x2] =	sbarrier.arrive $0xFFFF  }
0x16d: {  	p0 =	sne.s32 s0, $0x0;
	s0 =	rddreg [dreg:$0x2]  }
0x16e: {  	s0 =	sadd.s32 @!p0 $0x100000, s0  }
0x16f: {  	[sflag:s0] =	ssyncadd.tile.s32 @!p0 $0x1;
	_ =	shalt  }
.Lfunc_end2:
_tile_overlayer_lowered:
.L_overlay_start_2:
0x170: {  	(tag) =	ssettag $0x2  }
0x171: {  	s0 =	rddreg [dreg:$0x0];
	s2 =	stileid.u32  }
0x172: {  	s1 =	rddreg [dreg:$0x1];
	p0 =	sne.s32 s2, $0x0  }
0x173: {  	s3 =	rddreg [dreg:$0x2];
	[bflag:$0x3] =	sbarrier.arrive $0xFFFF;
	s2 =	simm.s32 @!p0 $0x1C03  }
0x174: {  	[timem:s3], [sflag:s2] =	dma.local @!p0 [hbm:s0], s1  }
0x175: {  	s0 =	simm.s32 @!p0 $0x3  }
0x176: {  	_ =	swait.ge @!p0 [sflag:s0], s1  }
0x177: {  	s1 =	ssub.s32 @!p0 $0x0, s1;
	[sflag:s0] =	ssyncset.done @!p0 $0x0  }
0x178: {  	[sflag:s0] =	ssyncadd.s32 @!p0 s1  }
0x179: {  	[bflag:$0x3] =	sbarrier.arrive $0xFFFF  }
0x17a: {  	_ =	shalt  }

</sc_bundles>
